<compile_context>
chip_gen: v7x
topology: tpu7x:2x2x1
jax: 0.10.2.dev20260603
libtpu: 0.0.44.dev20260713+nightly
codegen_flags: <defaults>
</compile_context>

<pallas_src>
import functools

import jax
import jax.numpy as jnp
import numpy as np
from jax import lax
from jax.experimental import pallas as pl
from jax.experimental.pallas import tpu as pltpu
from jax.experimental.pallas import tpu_sc as plsc

B = 4
C = 9
W = 256
H = 256
N_TGT = 50
ZSIZE = 4.0
MEANDIMS = (3.9, 1.6, 1.56)
VALIDIOU = 0.1
TWO_PI = 2.0 * np.pi

NC = 2
NS = 16
L = 16

_TGT_PER_CORE = 2 * N_TGT
_INIT_WORDS = 2 * W * H // NS
_SROWS = 18
_SLAB = _SROWS * H


def _floor_i32(x):
    i = x.astype(jnp.int32)
    return i - jnp.where(i.astype(jnp.float32) > x, 1, 0)


def _sc_mask_and_centers(out_flat, target_flat):
    mesh = plsc.VectorSubcoreMesh(
        core_axis_name="c", subcore_axis_name="s", num_cores=NC, num_subcores=NS
    )

    @functools.partial(
        pl.kernel,
        out_type=(
            jax.ShapeDtypeStruct(((B + 1) * W * H,), jnp.float32),
            jax.ShapeDtypeStruct((B * N_TGT * L,), jnp.float32),
        ),
        mesh=mesh,
        compiler_params=pltpu.CompilerParams(needs_layout_passes=False),
        scratch_types=[
            pltpu.VMEM((_INIT_WORDS,), jnp.float32),
            pltpu.VMEM((B * N_TGT * 7 + L,), jnp.float32),
            pltpu.VMEM((2 * C * _SLAB,), jnp.float32),
            pltpu.VMEM((L,), jnp.float32),
            pltpu.VMEM((L,), jnp.float32),
            pltpu.SemaphoreType.DMA,
            pltpu.SemaphoreType.DMA,
        ],
    )
    def k(out_hbm, tgt_hbm, mask_hbm, ctr_hbm, ones_v, tgt_v, stripe_v,
          zeros_v, cbuf_v, sem, semw):
        core = lax.axis_index("c")
        sub = lax.axis_index("s")

        lanes = lax.iota(jnp.int32, L)
        onev = jnp.full((L,), 1.0, jnp.float32)
        zeros_v[...] = jnp.zeros((L,), jnp.float32)

        def w01(c):
            return jnp.where(c, 1, 0)

        n = jnp.where(lanes < 8, lanes + w01(lanes >= 4), 4)
        ndiv3 = w01(n >= 3) + w01(n >= 6)
        dxv = n - 3 * ndiv3 - 1
        dyv = ndiv3 - 1
        ccode = jnp.where(lanes == 4, 7,
                          jnp.where(lanes == 5, 8,
                                    jnp.where(lanes < 4, lanes, 0)))

        pltpu.async_copy(tgt_hbm, tgt_v.at[pl.ds(0, B * N_TGT * 7)], semw).wait()

        s0 = jnp.clip(L * sub - 1, 0, W - _SROWS)

        def _stripe_copies():
            cps = []
            for i2 in range(2):
                for c in range(C):
                    i = 2 * core + i2
                    src = (((i * C + c) * W) + s0) * H
                    dst = (i2 * C + c) * _SLAB
                    cps.append(pltpu.make_async_copy(
                        out_hbm.at[pl.ds(src, _SLAB)],
                        stripe_v.at[pl.ds(dst, _SLAB)], sem))
            return cps

        for cp in _stripe_copies():
            cp.start()

        def fill(j, _):
            ones_v[pl.ds(j * L, L)] = onev
            return 0

        lax.fori_loop(0, _INIT_WORDS // L, fill, 0)
        base = core * (2 * W * H) + sub * _INIT_WORDS
        pltpu.async_copy(ones_v, mask_hbm.at[pl.ds(base, _INIT_WORDS)], semw).wait()
        plsc.subcore_barrier()

        for cp in _stripe_copies():
            cp.wait()

        def body(q, _):
            tv = tgt_v[pl.ds((core * _TGT_PER_CORE + q) * 7, L)]
            t0 = tv[0]
            cx = _floor_i32(t0)

            @pl.when(lax.shift_right_logical(cx, 4) == sub)
            def _():
                i2 = jnp.where(q < N_TGT, 0, 1)
                i = 2 * core + i2
                gidx = core * _TGT_PER_CORE + q
                t1 = tv[1]
                t2 = tv[2]
                t3 = tv[3]
                t4 = tv[4]
                t5 = tv[5]
                cy = _floor_i32(t1)
                lx = cx - s0

                def ch(c):
                    idx = ((i2 * C + c) * _SROWS + lx + dxv) * H + (cy + dyv)
                    return plsc.load_gather(stripe_v, [idx])

                o1, o2, o3 = ch(1), ch(2), ch(3)
                o4, o5, o6 = ch(4), ch(5), ch(6)

                fxn = (cx + dxv).astype(jnp.float32)
                fyn = (cy + dyv).astype(jnp.float32)
                ax = 1.0 / (1.0 + jnp.exp(-o1)) + fxn
                ay = 1.0 / (1.0 + jnp.exp(-o2)) + fyn
                az = (1.0 / (1.0 + jnp.exp(-o3))) * ZSIZE
                aw = jnp.exp(o4) * MEANDIMS[0]
                al = jnp.exp(o5) * MEANDIMS[1]
                ah = jnp.exp(o6) * MEANDIMS[2]
                ox = jnp.maximum(
                    jnp.minimum(ax + aw * 0.5, t0 + t3 * 0.5)
                    - jnp.maximum(ax - aw * 0.5, t0 - t3 * 0.5), 0.0)
                oy = jnp.maximum(
                    jnp.minimum(ay + al * 0.5, t1 + t4 * 0.5)
                    - jnp.maximum(ay - al * 0.5, t1 - t4 * 0.5), 0.0)
                oz = jnp.maximum(
                    jnp.minimum(az + ah * 0.5, t2 + t5 * 0.5)
                    - jnp.maximum(az - ah * 0.5, t2 - t5 * 0.5), 0.0)
                inter = ox * oy * oz
                vol_a = aw * al * ah
                vol_b = t3 * t4 * t5
                iou3d = inter / (vol_a + vol_b - inter + 1e-8)
                sel = (iou3d > VALIDIOU) & (lanes < 8)

                cell = i * (W * H) + (cx + dxv) * H + (cy + dyv)
                ctr = i * (W * H) + cx * H + cy
                scat = jnp.where(sel, cell, ctr)
                sc_desc = pltpu.make_async_copy(
                    zeros_v, mask_hbm.at[scat], semw)
                sc_desc.start()

                cidx = ((i2 * C + ccode) * _SROWS + lx) * H + cy
                cbuf_v[...] = plsc.load_gather(stripe_v, [cidx])
                ct_desc = pltpu.make_async_copy(
                    cbuf_v, ctr_hbm.at[pl.ds(gidx * L, L)], semw)
                ct_desc.start()
                sc_desc.wait()
                ct_desc.wait()

            return 0

        lax.fori_loop(0, _TGT_PER_CORE, body, 0)

    return k(out_flat, target_flat)


def _tc_body(o0_ref, mask_ref, ctr_ref, tgt_ref, out_ref):
    i = pl.program_id(0)

    @pl.when(i == 0)
    def _():
        out_ref[0, 0] = 0.0

    o0 = o0_ref[0]
    m = mask_ref[0]
    p = 1.0 / (1.0 + jnp.exp(-o0))
    elems = -jnp.log(1.0 - p)
    bkg = jnp.sum(m * elems) / jnp.sum(m)

    cvals = ctr_ref[0]
    t = tgt_ref[0]
    a0 = cvals[:, 0:1]
    a1 = cvals[:, 1:2]
    a2 = cvals[:, 2:3]
    a3 = cvals[:, 3:4]
    a7 = cvals[:, 4:5]
    a8 = cvals[:, 5:6]
    p0 = 1.0 / (1.0 + jnp.exp(-a0))
    p1 = 1.0 / (1.0 + jnp.exp(-a1))
    p2 = 1.0 / (1.0 + jnp.exp(-a2))
    p3 = 1.0 / (1.0 + jnp.exp(-a3))
    th7 = jnp.tanh(a7)
    th8 = jnp.tanh(a8)
    tx = t[:, 0:1]
    ty = t[:, 1:2]
    t1 = tx - jnp.floor(tx)
    t2 = ty - jnp.floor(ty)
    t3 = t[:, 2:3] / ZSIZE
    ang = TWO_PI - t[:, 6:7]
    t7 = jnp.sin(ang)
    t8 = jnp.cos(ang)

    clsloss = jnp.sum(-jnp.log(p0)) / N_TGT

    def bce_sum(pp, tt):
        return jnp.sum(-(tt * jnp.log(pp) + (1.0 - tt) * jnp.log(1.0 - pp)))

    xyz = (bce_sum(p1, t1) + bce_sum(p2, t2) + bce_sum(p3, t3)) / (3 * N_TGT)
    wlh = (jnp.sum((p1 - t1) ** 2) + jnp.sum((p2 - t2) ** 2)
           + jnp.sum((p3 - t3) ** 2)) / (3 * N_TGT) * 0.5
    lim = jnp.sum((th7 - t7) ** 2) / N_TGT
    lre = jnp.sum((th8 - t8) ** 2) / N_TGT
    limre = jnp.sum((1.0 - jnp.sqrt(th7 * th7 + th8 * th8)) ** 2) / N_TGT

    out_ref[0, 0] += bkg + clsloss + xyz + wlh + lim + lre + limre


def kernel(output, target):
    mask_pad, ctr_flat = _sc_mask_and_centers(
        output.reshape(-1), target.reshape(-1))
    mask3d = mask_pad.reshape(B + 1, W, H)
    ctr3d = ctr_flat.reshape(B, N_TGT, L)
    out3d = output.reshape(B, C * W, H)

    loss = pl.pallas_call(
        _tc_body,
        grid=(B,),
        in_specs=[
            pl.BlockSpec((1, W, H), lambda i: (i, 0, 0)),
            pl.BlockSpec((1, W, H), lambda i: (i, 0, 0)),
            pl.BlockSpec((1, N_TGT, L), lambda i: (i, 0, 0)),
            pl.BlockSpec((1, N_TGT, 7), lambda i: (i, 0, 0)),
        ],
        out_specs=pl.BlockSpec((1, 1), lambda i: (0, 0), memory_space=pltpu.SMEM),
        out_shape=jax.ShapeDtypeStruct((1, 1), jnp.float32),
    )(out3d, mask3d, ctr3d, target)
    return loss[0, 0]

# --- scband reference (transcript-rebuilt; emitter-appended) ---
"""Pipeline reference for scband-multi-loss-81990925680773 (READ-ONLY COPY).

The authoritative reference and input builder live on the scoring server;
editing this copy changes nothing except your own understanding.
"""

import jax, jax.numpy as jnp
import numpy as np

B = 4
H = 256
W = 256
C = 9
ZSIZE = 4.0
MEANDIMS = (3.9, 1.6, 1.56)
MAXX = 256
MAXY = 256
VALIDIOU = 0.1
N_TGT = 50
DIRS = np.array([[-1, -1], [0, -1], [1, -1], [-1, 0], [1, 0], [-1, 1], [0, 1], [1, 1]], dtype=np.int64)


def _bce(p, t):
    return jnp.mean(-(t * jnp.log(p) + (1.0 - t) * jnp.log(1.0 - p)))


def _iou3d_eval(a, b):
    # axis-aligned 3D IoU stand-in for the external iou3d_eval CUDA op
    ax, ay, az = a[:, 0], a[:, 1], a[:, 2]
    aw, al, ah = a[:, 3], a[:, 4], a[:, 5]
    bx, by, bz = b[:, 0], b[:, 1], b[:, 2]
    bw, bl, bh = b[:, 3], b[:, 4], b[:, 5]
    ox = jnp.clip(jnp.minimum(ax[:, None] + aw[:, None] * 0.5, bx[None, :] + bw[None, :] * 0.5) - jnp.maximum(ax[:, None] - aw[:, None] * 0.5, bx[None, :] - bw[None, :] * 0.5), 0.0, None)
    oy = jnp.clip(jnp.minimum(ay[:, None] + al[:, None] * 0.5, by[None, :] + bl[None, :] * 0.5) - jnp.maximum(ay[:, None] - al[:, None] * 0.5, by[None, :] - bl[None, :] * 0.5), 0.0, None)
    oz = jnp.clip(jnp.minimum(az[:, None] + ah[:, None] * 0.5, bz[None, :] + bh[None, :] * 0.5) - jnp.maximum(az[:, None] - ah[:, None] * 0.5, bz[None, :] - bh[None, :] * 0.5), 0.0, None)
    inter_bev = ox * oy
    inter = inter_bev * oz
    area_a = (aw * al)[:, None]
    area_b = (bw * bl)[None, :]
    vol_a = (aw * al * ah)[:, None]
    vol_b = (bw * bl * bh)[None, :]
    iou_bev = inter_bev / (area_a + area_b - inter_bev + 1e-8)
    iou3d = inter / (vol_a + vol_b - inter + 1e-8)
    return iou_bev, iou_bev, iou3d


def _activate(output):
    output = jnp.transpose(output, (0, 2, 3, 1))
    return jnp.concatenate([jax.nn.sigmoid(output[..., :4]), output[..., 4:7], jnp.tanh(output[..., 7:])], axis=-1)


def setup_inputs(seed: int = 0):
    key = jax.random.key(seed)
    k1, k2 = jax.random.split(key)
    output = jax.random.normal(k1, (B, C, W, H), dtype=jnp.float32)
    u = jax.random.uniform(k2, (B, N_TGT, 7), dtype=jnp.float32)
    # scale uniform noise into valid BEV boxes: x,y grid coords, z in (0, ZSIZE), positive dims, yaw
    target = jnp.stack([u[..., 0] * 253.0 + 1.0, u[..., 1] * 253.0 + 1.0, u[..., 2] * 3.5 + 0.1, u[..., 3] * 3.0 + 0.6, u[..., 4] * 3.0 + 0.6, u[..., 5] * 1.5 + 0.8, u[..., 6] * 2.0 * np.pi], axis=-1)
    return {"output": output, "target": target}


def reference(output, target):
    output = _activate(output)
    grid_x = jnp.broadcast_to(jnp.arange(W, dtype=jnp.float32)[None, :, None], (B, W, H))
    grid_y = jnp.broadcast_to(jnp.arange(H, dtype=jnp.float32)[None, None, :], (B, W, H))
    pred = jnp.stack([output[..., 1] + grid_x, output[..., 2] + grid_y, output[..., 3] * ZSIZE, jnp.exp(output[..., 4]) * MEANDIMS[0], jnp.exp(output[..., 5]) * MEANDIMS[1], jnp.exp(output[..., 6]) * MEANDIMS[2], jnp.arctan2(output[..., 7], output[..., 8])], axis=-1)
    bkg_mask = jnp.ones((B, W, H), dtype=bool)
    loss = jnp.float32(0.0)
    for i in range(B):
        target_ = target[i]
        dc = jnp.floor(target_[:, :2]).astype(jnp.int32)
        bkg_mask = bkg_mask.at[i, dc[:, 0], dc[:, 1]].set(False)
        dircoord = dc[:, None, :] + DIRS[None, :, :]
        valid = (dircoord[..., 0] > -1) & (dircoord[..., 0] < MAXX) & (dircoord[..., 1] > -1) & (dircoord[..., 1] < MAXY)
        for k in range(dircoord.shape[0]):
            x = jnp.clip(dircoord[k][:, 0], 0, MAXX - 1)
            y = jnp.clip(dircoord[k][:, 1], 0, MAXY - 1)
            pred_ = pred[i, x, y, :].reshape(-1, 7)
            _, _, iou3d = _iou3d_eval(pred_, target_[k].reshape(1, 7))
            vmask = valid[k] & (iou3d.reshape(-1) > VALIDIOU)
            clear = jnp.zeros((W, H), jnp.int32).at[x, y].add(vmask.astype(jnp.int32))
            bkg_mask = bkg_mask.at[i].set(bkg_mask[i] & (clear == 0))
        bkg_p = output[i, :, :, 0]
        m = bkg_mask[i]
        bkg_elems = -(jnp.zeros_like(bkg_p) * jnp.log(bkg_p) + (1.0 - jnp.zeros_like(bkg_p)) * jnp.log(1.0 - bkg_p))
        bkgloss = jnp.sum(jnp.where(m, bkg_elems, 0.0)) / jnp.sum(m)
        tgt = jnp.stack([jnp.ones((N_TGT,), jnp.float32), target_[:, 0] - jnp.floor(target_[:, 0]), target_[:, 1] - jnp.floor(target_[:, 1]), target_[:, 2] / ZSIZE, jnp.log(target_[:, 3] / (MEANDIMS[0] + 1e-16)), jnp.log(target_[:, 4] / (MEANDIMS[1] + 1e-16)), jnp.log(target_[:, 5] / (MEANDIMS[2] + 1e-16)), jnp.sin(2.0 * np.pi - target_[:, 6]), jnp.cos(2.0 * np.pi - target_[:, 6])], axis=-1)
        out = output[i, dc[:, 0], dc[:, 1], :].reshape(-1, C)
        clsloss = _bce(out[:, 0], tgt[:, 0])
        xyzloss = _bce(out[:, 1:4], tgt[:, 1:4])
        wlhloss = jnp.mean((out[:, 1:4] - tgt[:, 1:4]) ** 2) * 0.5
        loss_im = jnp.mean((out[:, 7] - tgt[:, 7]) ** 2)
        loss_re = jnp.mean((out[:, 8] - tgt[:, 8]) ** 2)
        loss_im_re = (1.0 - jnp.sqrt(out[:, 7] ** 2 + out[:, 8] ** 2)) ** 2
        loss_eular = loss_im + loss_re + jnp.mean(loss_im_re)
        loss = loss + bkgloss + clsloss + xyzloss + wlhloss + loss_eular
    return loss

if __name__ == "__main__":
    import jax
    _d = setup_inputs()
    print(jax.jit(kernel)(*tuple(_d.values())))

</pallas_src>

<mosaic_0001>
#map = affine_map<(d0, d1) -> (0)>
module attributes {stable_mosaic.version = 14 : i64} {
  func.func @k(%arg0: i32, %arg1: i32, %arg2: memref<2359296xf32, #tpu.memory_space<hbm>>, %arg3: memref<1400xf32, #tpu.memory_space<hbm>>, %arg4: memref<327680xf32, #tpu.memory_space<hbm>>, %arg5: memref<3200xf32, #tpu.memory_space<hbm>>, %arg6: memref<8192xf32, #tpu.memory_space<vmem>>, %arg7: memref<1416xf32, #tpu.memory_space<vmem>>, %arg8: memref<82944xf32, #tpu.memory_space<vmem>>, %arg9: memref<16xf32, #tpu.memory_space<vmem>>, %arg10: memref<16xf32, #tpu.memory_space<vmem>>, %arg11: memref<!tpu.dma_semaphore, #tpu.memory_space<semaphore_mem>>, %arg12: memref<!tpu.dma_semaphore, #tpu.memory_space<semaphore_mem>>) attributes {dimension_semantics = [#tpu.dimension_semantics<core_parallel>, #tpu.dimension_semantics<subcore_parallel>], iteration_bounds = array<i64: 2, 16>, scalar_prefetch = 0 : i64, scratch_operands = 7 : i64, tpu.core_type = #tpu.core_type<sc_vector_subcore>, window_params = [{transform_indices = #map}, {transform_indices = #map}, {transform_indices = #map}, {transform_indices = #map}]} {
    %iota3A = tpu.iota {dimensions = array<i32: 0>} : vector<16xi32>
    %broadcast_in_dim3A = arith.constant 1.000000e+00 : f32
    %broadcast_in_dim3A_0 = vector.broadcast %broadcast_in_dim3A : f32 to vector<16xf32>
    %broadcast_in_dim3A_1 = arith.constant 0.000000e+00 : f32
    %broadcast_in_dim3A_2 = vector.broadcast %broadcast_in_dim3A_1 : f32 to vector<16xf32>
    %swap3A = arith.constant 0 : index
    %swap3A_3 = tpu.vector_load %arg9[%swap3A] {strides = array<i32>} : memref<16xf32, #tpu.memory_space<vmem>>, vector<16xf32>,
    tpu.vector_store %arg9[%swap3A], %broadcast_in_dim3A_2 {strides = array<i32>} : memref<16xf32, #tpu.memory_space<vmem>>, vector<16xf32>,
    %lt3A = arith.constant 8 : i32
    %lt3A_4 = vector.broadcast %lt3A : i32 to vector<16xi32>
    %lt3A_5 = arith.cmpi slt, %iota3A, %lt3A_4 : vector<16xi32>
    %ge3A = arith.constant 4 : i32
    %ge3A_6 = vector.broadcast %ge3A : i32 to vector<16xi32>
    %ge3A_7 = arith.cmpi sge, %iota3A, %ge3A_6 : vector<16xi32>
    %jit3A = arith.constant 1 : i32
    %jit3A_8 = arith.constant 0 : i32
    %broadcast_in_dim3A_9 = vector.broadcast %jit3A : i32 to vector<16xi32>
    %broadcast_in_dim3A_10 = vector.broadcast %jit3A_8 : i32 to vector<16xi32>
    %select_n3A = arith.select %ge3A_7, %broadcast_in_dim3A_9, %broadcast_in_dim3A_10 : vector<16xi1>, vector<16xi32>
    %add3A = arith.addi %iota3A, %select_n3A : vector<16xi32>
    %jit3A_11 = arith.constant 4 : i32
    %broadcast_in_dim3A_12 = vector.broadcast %jit3A_11 : i32 to vector<16xi32>
    %select_n3A_13 = arith.select %lt3A_5, %add3A, %broadcast_in_dim3A_12 : vector<16xi1>, vector<16xi32>
    %ge3A_14 = arith.constant 3 : i32
    %ge3A_15 = vector.broadcast %ge3A_14 : i32 to vector<16xi32>
    %ge3A_16 = arith.cmpi sge, %select_n3A_13, %ge3A_15 : vector<16xi32>
    %jit3A_17 = arith.constant 1 : i32
    %jit3A_18 = arith.constant 0 : i32
    %broadcast_in_dim3A_19 = vector.broadcast %jit3A_17 : i32 to vector<16xi32>
    %broadcast_in_dim3A_20 = vector.broadcast %jit3A_18 : i32 to vector<16xi32>
    %select_n3A_21 = arith.select %ge3A_16, %broadcast_in_dim3A_19, %broadcast_in_dim3A_20 : vector<16xi1>, vector<16xi32>
    %ge3A_22 = arith.constant 6 : i32
    %ge3A_23 = vector.broadcast %ge3A_22 : i32 to vector<16xi32>
    %ge3A_24 = arith.cmpi sge, %select_n3A_13, %ge3A_23 : vector<16xi32>
    %jit3A_25 = arith.constant 1 : i32
    %jit3A_26 = arith.constant 0 : i32
    %broadcast_in_dim3A_27 = vector.broadcast %jit3A_25 : i32 to vector<16xi32>
    %broadcast_in_dim3A_28 = vector.broadcast %jit3A_26 : i32 to vector<16xi32>
    %select_n3A_29 = arith.select %ge3A_24, %broadcast_in_dim3A_27, %broadcast_in_dim3A_28 : vector<16xi1>, vector<16xi32>
    %add3A_30 = arith.addi %select_n3A_21, %select_n3A_29 : vector<16xi32>
    %mul3A = arith.constant 3 : i32
    %mul3A_31 = vector.broadcast %mul3A : i32 to vector<16xi32>
    %mul3A_32 = arith.muli %mul3A_31, %add3A_30 : vector<16xi32>
    %sub3A = arith.subi %select_n3A_13, %mul3A_32 : vector<16xi32>
    %sub3A_33 = arith.constant 1 : i32
    %sub3A_34 = vector.broadcast %sub3A_33 : i32 to vector<16xi32>
    %sub3A_35 = arith.subi %sub3A, %sub3A_34 : vector<16xi32>
    %sub3A_36 = arith.constant 1 : i32
    %sub3A_37 = vector.broadcast %sub3A_36 : i32 to vector<16xi32>
    %sub3A_38 = arith.subi %add3A_30, %sub3A_37 : vector<16xi32>
    %eq3A = arith.constant 4 : i32
    %eq3A_39 = vector.broadcast %eq3A : i32 to vector<16xi32>
    %eq3A_40 = arith.cmpi eq, %iota3A, %eq3A_39 : vector<16xi32>
    %eq3A_41 = arith.constant 5 : i32
    %eq3A_42 = vector.broadcast %eq3A_41 : i32 to vector<16xi32>
    %eq3A_43 = arith.cmpi eq, %iota3A, %eq3A_42 : vector<16xi32>
    %lt3A_44 = arith.constant 4 : i32
    %lt3A_45 = vector.broadcast %lt3A_44 : i32 to vector<16xi32>
    %lt3A_46 = arith.cmpi slt, %iota3A, %lt3A_45 : vector<16xi32>
    %jit3A_47 = arith.constant 0 : i32
    %broadcast_in_dim3A_48 = vector.broadcast %jit3A_47 : i32 to vector<16xi32>
    %select_n3A_49 = arith.select %lt3A_46, %iota3A, %broadcast_in_dim3A_48 : vector<16xi1>, vector<16xi32>
    %jit3A_50 = arith.constant 8 : i32
    %broadcast_in_dim3A_51 = vector.broadcast %jit3A_50 : i32 to vector<16xi32>
    %select_n3A_52 = arith.select %eq3A_43, %broadcast_in_dim3A_51, %select_n3A_49 : vector<16xi1>, vector<16xi32>
    %jit3A_53 = arith.constant 7 : i32
    %broadcast_in_dim3A_54 = vector.broadcast %jit3A_53 : i32 to vector<16xi32>
    %select_n3A_55 = arith.select %eq3A_40, %broadcast_in_dim3A_54, %select_n3A_52 : vector<16xi1>, vector<16xi32>
    %dma_start3A = arith.constant 0 : i32
    %dma_start3A_56 = tpu.memref_slice %arg7[%dma_start3A] : memref<1416xf32, #tpu.memory_space<vmem>> -> memref<1400xf32, #tpu.memory_space<vmem>>
    %dma_start3A_57 = arith.constant 0 : i32
    %dma_start3A_58 = tpu.memref_slice %arg7[%dma_start3A_57] : memref<1416xf32, #tpu.memory_space<vmem>> -> memref<1400xf32, #tpu.memory_space<vmem>>
    tpu.enqueue_dma source(%arg3 : memref<1400xf32, #tpu.memory_space<hbm>>) target(%dma_start3A_58 : memref<1400xf32, #tpu.memory_space<vmem>>) target_semaphore(%arg12 : memref<!tpu.dma_semaphore, #tpu.memory_space<semaphore_mem>>)
    %dma_wait3A = arith.constant 0 : i32
    %dma_wait3A_59 = tpu.memref_slice %arg7[%dma_wait3A] : memref<1416xf32, #tpu.memory_space<vmem>> -> memref<1400xf32, #tpu.memory_space<vmem>>
    %dma_wait3A_60 = arith.constant 0 : i32
    %dma_wait3A_61 = tpu.memref_slice %arg7[%dma_wait3A_60] : memref<1416xf32, #tpu.memory_space<vmem>> -> memref<1400xf32, #tpu.memory_space<vmem>>
    tpu.wait_dma2 semaphore(%arg12 : memref<!tpu.dma_semaphore, #tpu.memory_space<semaphore_mem>>) src(%arg3 : memref<1400xf32, #tpu.memory_space<hbm>>) dst(%dma_wait3A_61 : memref<1400xf32, #tpu.memory_space<vmem>>)
    %mul3A_62 = arith.constant 16 : i32
    %mul3A_63 = arith.muli %mul3A_62, %arg1 : i32
    %sub3A_64 = arith.constant 1 : i32
    %sub3A_65 = arith.subi %mul3A_63, %sub3A_64 : i32
    %jit3A_66 = arith.constant 0 : i32
    %jit3A_67 = arith.constant 238 : i32
    %max3A = arith.maxsi %jit3A_66, %sub3A_65 : i32
    %min3A = arith.minsi %jit3A_67, %max3A : i32
    %mul3A_68 = arith.constant 2 : i32
    %mul3A_69 = arith.muli %mul3A_68, %arg0 : i32
    %add3A_70 = arith.constant 0 : i32
    %add3A_71 = arith.addi %mul3A_69, %add3A_70 : i32
    %mul3A_72 = arith.constant 9 : i32
    %mul3A_73 = arith.muli %add3A_71, %mul3A_72 : i32
    %add3A_74 = arith.constant 0 : i32
    %add3A_75 = arith.addi %mul3A_73, %add3A_74 : i32
    %mul3A_76 = arith.constant 256 : i32
    %mul3A_77 = arith.muli %add3A_75, %mul3A_76 : i32
    %add3A_78 = arith.addi %mul3A_77, %min3A : i32
    %mul3A_79 = arith.constant 256 : i32
    %mul3A_80 = arith.muli %add3A_78, %mul3A_79 : i32
    %mul3A_81 = arith.constant 2 : i32
    %mul3A_82 = arith.muli %mul3A_81, %arg0 : i32
    %add3A_83 = arith.constant 0 : i32
    %add3A_84 = arith.addi %mul3A_82, %add3A_83 : i32
    %mul3A_85 = arith.constant 9 : i32
    %mul3A_86 = arith.muli %add3A_84, %mul3A_85 : i32
    %add3A_87 = arith.constant 1 : i32
    %add3A_88 = arith.addi %mul3A_86, %add3A_87 : i32
    %mul3A_89 = arith.constant 256 : i32
    %mul3A_90 = arith.muli %add3A_88, %mul3A_89 : i32
    %add3A_91 = arith.addi %mul3A_90, %min3A : i32
    %mul3A_92 = arith.constant 256 : i32
    %mul3A_93 = arith.muli %add3A_91, %mul3A_92 : i32
    %mul3A_94 = arith.constant 2 : i32
    %mul3A_95 = arith.muli %mul3A_94, %arg0 : i32
    %add3A_96 = arith.constant 0 : i32
    %add3A_97 = arith.addi %mul3A_95, %add3A_96 : i32
    %mul3A_98 = arith.constant 9 : i32
    %mul3A_99 = arith.muli %add3A_97, %mul3A_98 : i32
    %add3A_100 = arith.constant 2 : i32
    %add3A_101 = arith.addi %mul3A_99, %add3A_100 : i32
    %mul3A_102 = arith.constant 256 : i32
    %mul3A_103 = arith.muli %add3A_101, %mul3A_102 : i32
    %add3A_104 = arith.addi %mul3A_103, %min3A : i32
    %mul3A_105 = arith.constant 256 : i32
    %mul3A_106 = arith.muli %add3A_104, %mul3A_105 : i32
    %mul3A_107 = arith.constant 2 : i32
    %mul3A_108 = arith.muli %mul3A_107, %arg0 : i32
    %add3A_109 = arith.constant 0 : i32
    %add3A_110 = arith.addi %mul3A_108, %add3A_109 : i32
    %mul3A_111 = arith.constant 9 : i32
    %mul3A_112 = arith.muli %add3A_110, %mul3A_111 : i32
    %add3A_113 = arith.constant 3 : i32
    %add3A_114 = arith.addi %mul3A_112, %add3A_113 : i32
    %mul3A_115 = arith.constant 256 : i32
    %mul3A_116 = arith.muli %add3A_114, %mul3A_115 : i32
    %add3A_117 = arith.addi %mul3A_116, %min3A : i32
    %mul3A_118 = arith.constant 256 : i32
    %mul3A_119 = arith.muli %add3A_117, %mul3A_118 : i32
    %mul3A_120 = arith.constant 2 : i32
    %mul3A_121 = arith.muli %mul3A_120, %arg0 : i32
    %add3A_122 = arith.constant 0 : i32
    %add3A_123 = arith.addi %mul3A_121, %add3A_122 : i32
    %mul3A_124 = arith.constant 9 : i32
    %mul3A_125 = arith.muli %add3A_123, %mul3A_124 : i32
    %add3A_126 = arith.constant 4 : i32
    %add3A_127 = arith.addi %mul3A_125, %add3A_126 : i32
    %mul3A_128 = arith.constant 256 : i32
    %mul3A_129 = arith.muli %add3A_127, %mul3A_128 : i32
    %add3A_130 = arith.addi %mul3A_129, %min3A : i32
    %mul3A_131 = arith.constant 256 : i32
    %mul3A_132 = arith.muli %add3A_130, %mul3A_131 : i32
    %mul3A_133 = arith.constant 2 : i32
    %mul3A_134 = arith.muli %mul3A_133, %arg0 : i32
    %add3A_135 = arith.constant 0 : i32
    %add3A_136 = arith.addi %mul3A_134, %add3A_135 : i32
    %mul3A_137 = arith.constant 9 : i32
    %mul3A_138 = arith.muli %add3A_136, %mul3A_137 : i32
    %add3A_139 = arith.constant 5 : i32
    %add3A_140 = arith.addi %mul3A_138, %add3A_139 : i32
    %mul3A_141 = arith.constant 256 : i32
    %mul3A_142 = arith.muli %add3A_140, %mul3A_141 : i32
    %add3A_143 = arith.addi %mul3A_142, %min3A : i32
    %mul3A_144 = arith.constant 256 : i32
    %mul3A_145 = arith.muli %add3A_143, %mul3A_144 : i32
    %mul3A_146 = arith.constant 2 : i32
    %mul3A_147 = arith.muli %mul3A_146, %arg0 : i32
    %add3A_148 = arith.constant 0 : i32
    %add3A_149 = arith.addi %mul3A_147, %add3A_148 : i32
    %mul3A_150 = arith.constant 9 : i32
    %mul3A_151 = arith.muli %add3A_149, %mul3A_150 : i32
    %add3A_152 = arith.constant 6 : i32
    %add3A_153 = arith.addi %mul3A_151, %add3A_152 : i32
    %mul3A_154 = arith.constant 256 : i32
    %mul3A_155 = arith.muli %add3A_153, %mul3A_154 : i32
    %add3A_156 = arith.addi %mul3A_155, %min3A : i32
    %mul3A_157 = arith.constant 256 : i32
    %mul3A_158 = arith.muli %add3A_156, %mul3A_157 : i32
    %mul3A_159 = arith.constant 2 : i32
    %mul3A_160 = arith.muli %mul3A_159, %arg0 : i32
    %add3A_161 = arith.constant 0 : i32
    %add3A_162 = arith.addi %mul3A_160, %add3A_161 : i32
    %mul3A_163 = arith.constant 9 : i32
    %mul3A_164 = arith.muli %add3A_162, %mul3A_163 : i32
    %add3A_165 = arith.constant 7 : i32
    %add3A_166 = arith.addi %mul3A_164, %add3A_165 : i32
    %mul3A_167 = arith.constant 256 : i32
    %mul3A_168 = arith.muli %add3A_166, %mul3A_167 : i32
    %add3A_169 = arith.addi %mul3A_168, %min3A : i32
    %mul3A_170 = arith.constant 256 : i32
    %mul3A_171 = arith.muli %add3A_169, %mul3A_170 : i32
    %mul3A_172 = arith.constant 2 : i32
    %mul3A_173 = arith.muli %mul3A_172, %arg0 : i32
    %add3A_174 = arith.constant 0 : i32
    %add3A_175 = arith.addi %mul3A_173, %add3A_174 : i32
    %mul3A_176 = arith.constant 9 : i32
    %mul3A_177 = arith.muli %add3A_175, %mul3A_176 : i32
    %add3A_178 = arith.constant 8 : i32
    %add3A_179 = arith.addi %mul3A_177, %add3A_178 : i32
    %mul3A_180 = arith.constant 256 : i32
    %mul3A_181 = arith.muli %add3A_179, %mul3A_180 : i32
    %add3A_182 = arith.addi %mul3A_181, %min3A : i32
    %mul3A_183 = arith.constant 256 : i32
    %mul3A_184 = arith.muli %add3A_182, %mul3A_183 : i32
    %mul3A_185 = arith.constant 2 : i32
    %mul3A_186 = arith.muli %mul3A_185, %arg0 : i32
    %add3A_187 = arith.constant 1 : i32
    %add3A_188 = arith.addi %mul3A_186, %add3A_187 : i32
    %mul3A_189 = arith.constant 9 : i32
    %mul3A_190 = arith.muli %add3A_188, %mul3A_189 : i32
    %add3A_191 = arith.constant 0 : i32
    %add3A_192 = arith.addi %mul3A_190, %add3A_191 : i32
    %mul3A_193 = arith.constant 256 : i32
    %mul3A_194 = arith.muli %add3A_192, %mul3A_193 : i32
    %add3A_195 = arith.addi %mul3A_194, %min3A : i32
    %mul3A_196 = arith.constant 256 : i32
    %mul3A_197 = arith.muli %add3A_195, %mul3A_196 : i32
    %mul3A_198 = arith.constant 2 : i32
    %mul3A_199 = arith.muli %mul3A_198, %arg0 : i32
    %add3A_200 = arith.constant 1 : i32
    %add3A_201 = arith.addi %mul3A_199, %add3A_200 : i32
    %mul3A_202 = arith.constant 9 : i32
    %mul3A_203 = arith.muli %add3A_201, %mul3A_202 : i32
    %add3A_204 = arith.constant 1 : i32
    %add3A_205 = arith.addi %mul3A_203, %add3A_204 : i32
    %mul3A_206 = arith.constant 256 : i32
    %mul3A_207 = arith.muli %add3A_205, %mul3A_206 : i32
    %add3A_208 = arith.addi %mul3A_207, %min3A : i32
    %mul3A_209 = arith.constant 256 : i32
    %mul3A_210 = arith.muli %add3A_208, %mul3A_209 : i32
    %mul3A_211 = arith.constant 2 : i32
    %mul3A_212 = arith.muli %mul3A_211, %arg0 : i32
    %add3A_213 = arith.constant 1 : i32
    %add3A_214 = arith.addi %mul3A_212, %add3A_213 : i32
    %mul3A_215 = arith.constant 9 : i32
    %mul3A_216 = arith.muli %add3A_214, %mul3A_215 : i32
    %add3A_217 = arith.constant 2 : i32
    %add3A_218 = arith.addi %mul3A_216, %add3A_217 : i32
    %mul3A_219 = arith.constant 256 : i32
    %mul3A_220 = arith.muli %add3A_218, %mul3A_219 : i32
    %add3A_221 = arith.addi %mul3A_220, %min3A : i32
    %mul3A_222 = arith.constant 256 : i32
    %mul3A_223 = arith.muli %add3A_221, %mul3A_222 : i32
    %mul3A_224 = arith.constant 2 : i32
    %mul3A_225 = arith.muli %mul3A_224, %arg0 : i32
    %add3A_226 = arith.constant 1 : i32
    %add3A_227 = arith.addi %mul3A_225, %add3A_226 : i32
    %mul3A_228 = arith.constant 9 : i32
    %mul3A_229 = arith.muli %add3A_227, %mul3A_228 : i32
    %add3A_230 = arith.constant 3 : i32
    %add3A_231 = arith.addi %mul3A_229, %add3A_230 : i32
    %mul3A_232 = arith.constant 256 : i32
    %mul3A_233 = arith.muli %add3A_231, %mul3A_232 : i32
    %add3A_234 = arith.addi %mul3A_233, %min3A : i32
    %mul3A_235 = arith.constant 256 : i32
    %mul3A_236 = arith.muli %add3A_234, %mul3A_235 : i32
    %mul3A_237 = arith.constant 2 : i32
    %mul3A_238 = arith.muli %mul3A_237, %arg0 : i32
    %add3A_239 = arith.constant 1 : i32
    %add3A_240 = arith.addi %mul3A_238, %add3A_239 : i32
    %mul3A_241 = arith.constant 9 : i32
    %mul3A_242 = arith.muli %add3A_240, %mul3A_241 : i32
    %add3A_243 = arith.constant 4 : i32
    %add3A_244 = arith.addi %mul3A_242, %add3A_243 : i32
    %mul3A_245 = arith.constant 256 : i32
    %mul3A_246 = arith.muli %add3A_244, %mul3A_245 : i32
    %add3A_247 = arith.addi %mul3A_246, %min3A : i32
    %mul3A_248 = arith.constant 256 : i32
    %mul3A_249 = arith.muli %add3A_247, %mul3A_248 : i32
    %mul3A_250 = arith.constant 2 : i32
    %mul3A_251 = arith.muli %mul3A_250, %arg0 : i32
    %add3A_252 = arith.constant 1 : i32
    %add3A_253 = arith.addi %mul3A_251, %add3A_252 : i32
    %mul3A_254 = arith.constant 9 : i32
    %mul3A_255 = arith.muli %add3A_253, %mul3A_254 : i32
    %add3A_256 = arith.constant 5 : i32
    %add3A_257 = arith.addi %mul3A_255, %add3A_256 : i32
    %mul3A_258 = arith.constant 256 : i32
    %mul3A_259 = arith.muli %add3A_257, %mul3A_258 : i32
    %add3A_260 = arith.addi %mul3A_259, %min3A : i32
    %mul3A_261 = arith.constant 256 : i32
    %mul3A_262 = arith.muli %add3A_260, %mul3A_261 : i32
    %mul3A_263 = arith.constant 2 : i32
    %mul3A_264 = arith.muli %mul3A_263, %arg0 : i32
    %add3A_265 = arith.constant 1 : i32
    %add3A_266 = arith.addi %mul3A_264, %add3A_265 : i32
    %mul3A_267 = arith.constant 9 : i32
    %mul3A_268 = arith.muli %add3A_266, %mul3A_267 : i32
    %add3A_269 = arith.constant 6 : i32
    %add3A_270 = arith.addi %mul3A_268, %add3A_269 : i32
    %mul3A_271 = arith.constant 256 : i32
    %mul3A_272 = arith.muli %add3A_270, %mul3A_271 : i32
    %add3A_273 = arith.addi %mul3A_272, %min3A : i32
    %mul3A_274 = arith.constant 256 : i32
    %mul3A_275 = arith.muli %add3A_273, %mul3A_274 : i32
    %mul3A_276 = arith.constant 2 : i32
    %mul3A_277 = arith.muli %mul3A_276, %arg0 : i32
    %add3A_278 = arith.constant 1 : i32
    %add3A_279 = arith.addi %mul3A_277, %add3A_278 : i32
    %mul3A_280 = arith.constant 9 : i32
    %mul3A_281 = arith.muli %add3A_279, %mul3A_280 : i32
    %add3A_282 = arith.constant 7 : i32
    %add3A_283 = arith.addi %mul3A_281, %add3A_282 : i32
    %mul3A_284 = arith.constant 256 : i32
    %mul3A_285 = arith.muli %add3A_283, %mul3A_284 : i32
    %add3A_286 = arith.addi %mul3A_285, %min3A : i32
    %mul3A_287 = arith.constant 256 : i32
    %mul3A_288 = arith.muli %add3A_286, %mul3A_287 : i32
    %mul3A_289 = arith.constant 2 : i32
    %mul3A_290 = arith.muli %mul3A_289, %arg0 : i32
    %add3A_291 = arith.constant 1 : i32
    %add3A_292 = arith.addi %mul3A_290, %add3A_291 : i32
    %mul3A_293 = arith.constant 9 : i32
    %mul3A_294 = arith.muli %add3A_292, %mul3A_293 : i32
    %add3A_295 = arith.constant 8 : i32
    %add3A_296 = arith.addi %mul3A_294, %add3A_295 : i32
    %mul3A_297 = arith.constant 256 : i32
    %mul3A_298 = arith.muli %add3A_296, %mul3A_297 : i32
    %add3A_299 = arith.addi %mul3A_298, %min3A : i32
    %mul3A_300 = arith.constant 256 : i32
    %mul3A_301 = arith.muli %add3A_299, %mul3A_300 : i32
    %dma_start3A_302 = arith.constant 0 : i32
    %dma_start3A_303 = tpu.memref_slice %arg8[%dma_start3A_302] : memref<82944xf32, #tpu.memory_space<vmem>> -> memref<4608xf32, #tpu.memory_space<vmem>>
    %dma_start3A_304 = tpu.memref_slice %arg2[%mul3A_80] : memref<2359296xf32, #tpu.memory_space<hbm>> -> memref<4608xf32, #tpu.memory_space<hbm>>
    %dma_start3A_305 = arith.constant 0 : i32
    %dma_start3A_306 = tpu.memref_slice %arg8[%dma_start3A_305] : memref<82944xf32, #tpu.memory_space<vmem>> -> memref<4608xf32, #tpu.memory_space<vmem>>
    %dma_start3A_307 = tpu.memref_slice %arg2[%mul3A_80] : memref<2359296xf32, #tpu.memory_space<hbm>> -> memref<4608xf32, #tpu.memory_space<hbm>>
    tpu.enqueue_dma source(%dma_start3A_307 : memref<4608xf32, #tpu.memory_space<hbm>>) target(%dma_start3A_306 : memref<4608xf32, #tpu.memory_space<vmem>>) target_semaphore(%arg11 : memref<!tpu.dma_semaphore, #tpu.memory_space<semaphore_mem>>)
    %dma_start3A_308 = arith.constant 4608 : i32
    %dma_start3A_309 = tpu.memref_slice %arg8[%dma_start3A_308] : memref<82944xf32, #tpu.memory_space<vmem>> -> memref<4608xf32, #tpu.memory_space<vmem>>
    %dma_start3A_310 = tpu.memref_slice %arg2[%mul3A_93] : memref<2359296xf32, #tpu.memory_space<hbm>> -> memref<4608xf32, #tpu.memory_space<hbm>>
    %dma_start3A_311 = arith.constant 4608 : i32
    %dma_start3A_312 = tpu.memref_slice %arg8[%dma_start3A_311] : memref<82944xf32, #tpu.memory_space<vmem>> -> memref<4608xf32, #tpu.memory_space<vmem>>
    %dma_start3A_313 = tpu.memref_slice %arg2[%mul3A_93] : memref<2359296xf32, #tpu.memory_space<hbm>> -> memref<4608xf32, #tpu.memory_space<hbm>>
    tpu.enqueue_dma source(%dma_start3A_313 : memref<4608xf32, #tpu.memory_space<hbm>>) target(%dma_start3A_312 : memref<4608xf32, #tpu.memory_space<vmem>>) target_semaphore(%arg11 : memref<!tpu.dma_semaphore, #tpu.memory_space<semaphore_mem>>)
    %dma_start3A_314 = arith.constant 9216 : i32
    %dma_start3A_315 = tpu.memref_slice %arg8[%dma_start3A_314] : memref<82944xf32, #tpu.memory_space<vmem>> -> memref<4608xf32, #tpu.memory_space<vmem>>
    %dma_start3A_316 = tpu.memref_slice %arg2[%mul3A_106] : memref<2359296xf32, #tpu.memory_space<hbm>> -> memref<4608xf32, #tpu.memory_space<hbm>>
    %dma_start3A_317 = arith.constant 9216 : i32
    %dma_start3A_318 = tpu.memref_slice %arg8[%dma_start3A_317] : memref<82944xf32, #tpu.memory_space<vmem>> -> memref<4608xf32, #tpu.memory_space<vmem>>
    %dma_start3A_319 = tpu.memref_slice %arg2[%mul3A_106] : memref<2359296xf32, #tpu.memory_space<hbm>> -> memref<4608xf32, #tpu.memory_space<hbm>>
    tpu.enqueue_dma source(%dma_start3A_319 : memref<4608xf32, #tpu.memory_space<hbm>>) target(%dma_start3A_318 : memref<4608xf32, #tpu.memory_space<vmem>>) target_semaphore(%arg11 : memref<!tpu.dma_semaphore, #tpu.memory_space<semaphore_mem>>)
    %dma_start3A_320 = arith.constant 13824 : i32
    %dma_start3A_321 = tpu.memref_slice %arg8[%dma_start3A_320] : memref<82944xf32, #tpu.memory_space<vmem>> -> memref<4608xf32, #tpu.memory_space<vmem>>
    %dma_start3A_322 = tpu.memref_slice %arg2[%mul3A_119] : memref<2359296xf32, #tpu.memory_space<hbm>> -> memref<4608xf32, #tpu.memory_space<hbm>>
    %dma_start3A_323 = arith.constant 13824 : i32
    %dma_start3A_324 = tpu.memref_slice %arg8[%dma_start3A_323] : memref<82944xf32, #tpu.memory_space<vmem>> -> memref<4608xf32, #tpu.memory_space<vmem>>
    %dma_start3A_325 = tpu.memref_slice %arg2[%mul3A_119] : memref<2359296xf32, #tpu.memory_space<hbm>> -> memref<4608xf32, #tpu.memory_space<hbm>>
    tpu.enqueue_dma source(%dma_start3A_325 : memref<4608xf32, #tpu.memory_space<hbm>>) target(%dma_start3A_324 : memref<4608xf32, #tpu.memory_space<vmem>>) target_semaphore(%arg11 : memref<!tpu.dma_semaphore, #tpu.memory_space<semaphore_mem>>)
    %dma_start3A_326 = arith.constant 18432 : i32
    %dma_start3A_327 = tpu.memref_slice %arg8[%dma_start3A_326] : memref<82944xf32, #tpu.memory_space<vmem>> -> memref<4608xf32, #tpu.memory_space<vmem>>
    %dma_start3A_328 = tpu.memref_slice %arg2[%mul3A_132] : memref<2359296xf32, #tpu.memory_space<hbm>> -> memref<4608xf32, #tpu.memory_space<hbm>>
    %dma_start3A_329 = arith.constant 18432 : i32
    %dma_start3A_330 = tpu.memref_slice %arg8[%dma_start3A_329] : memref<82944xf32, #tpu.memory_space<vmem>> -> memref<4608xf32, #tpu.memory_space<vmem>>
    %dma_start3A_331 = tpu.memref_slice %arg2[%mul3A_132] : memref<2359296xf32, #tpu.memory_space<hbm>> -> memref<4608xf32, #tpu.memory_space<hbm>>
    tpu.enqueue_dma source(%dma_start3A_331 : memref<4608xf32, #tpu.memory_space<hbm>>) target(%dma_start3A_330 : memref<4608xf32, #tpu.memory_space<vmem>>) target_semaphore(%arg11 : memref<!tpu.dma_semaphore, #tpu.memory_space<semaphore_mem>>)
    %dma_start3A_332 = arith.constant 23040 : i32
    %dma_start3A_333 = tpu.memref_slice %arg8[%dma_start3A_332] : memref<82944xf32, #tpu.memory_space<vmem>> -> memref<4608xf32, #tpu.memory_space<vmem>>
    %dma_start3A_334 = tpu.memref_slice %arg2[%mul3A_145] : memref<2359296xf32, #tpu.memory_space<hbm>> -> memref<4608xf32, #tpu.memory_space<hbm>>
    %dma_start3A_335 = arith.constant 23040 : i32
    %dma_start3A_336 = tpu.memref_slice %arg8[%dma_start3A_335] : memref<82944xf32, #tpu.memory_space<vmem>> -> memref<4608xf32, #tpu.memory_space<vmem>>
    %dma_start3A_337 = tpu.memref_slice %arg2[%mul3A_145] : memref<2359296xf32, #tpu.memory_space<hbm>> -> memref<4608xf32, #tpu.memory_space<hbm>>
    tpu.enqueue_dma source(%dma_start3A_337 : memref<4608xf32, #tpu.memory_space<hbm>>) target(%dma_start3A_336 : memref<4608xf32, #tpu.memory_space<vmem>>) target_semaphore(%arg11 : memref<!tpu.dma_semaphore, #tpu.memory_space<semaphore_mem>>)
    %dma_start3A_338 = arith.constant 27648 : i32
    %dma_start3A_339 = tpu.memref_slice %arg8[%dma_start3A_338] : memref<82944xf32, #tpu.memory_space<vmem>> -> memref<4608xf32, #tpu.memory_space<vmem>>
    %dma_start3A_340 = tpu.memref_slice %arg2[%mul3A_158] : memref<2359296xf32, #tpu.memory_space<hbm>> -> memref<4608xf32, #tpu.memory_space<hbm>>
    %dma_start3A_341 = arith.constant 27648 : i32
    %dma_start3A_342 = tpu.memref_slice %arg8[%dma_start3A_341] : memref<82944xf32, #tpu.memory_space<vmem>> -> memref<4608xf32, #tpu.memory_space<vmem>>
    %dma_start3A_343 = tpu.memref_slice %arg2[%mul3A_158] : memref<2359296xf32, #tpu.memory_space<hbm>> -> memref<4608xf32, #tpu.memory_space<hbm>>
    tpu.enqueue_dma source(%dma_start3A_343 : memref<4608xf32, #tpu.memory_space<hbm>>) target(%dma_start3A_342 : memref<4608xf32, #tpu.memory_space<vmem>>) target_semaphore(%arg11 : memref<!tpu.dma_semaphore, #tpu.memory_space<semaphore_mem>>)
    %dma_start3A_344 = arith.constant 32256 : i32
    %dma_start3A_345 = tpu.memref_slice %arg8[%dma_start3A_344] : memref<82944xf32, #tpu.memory_space<vmem>> -> memref<4608xf32, #tpu.memory_space<vmem>>
    %dma_start3A_346 = tpu.memref_slice %arg2[%mul3A_171] : memref<2359296xf32, #tpu.memory_space<hbm>> -> memref<4608xf32, #tpu.memory_space<hbm>>
    %dma_start3A_347 = arith.constant 32256 : i32
    %dma_start3A_348 = tpu.memref_slice %arg8[%dma_start3A_347] : memref<82944xf32, #tpu.memory_space<vmem>> -> memref<4608xf32, #tpu.memory_space<vmem>>
    %dma_start3A_349 = tpu.memref_slice %arg2[%mul3A_171] : memref<2359296xf32, #tpu.memory_space<hbm>> -> memref<4608xf32, #tpu.memory_space<hbm>>
    tpu.enqueue_dma source(%dma_start3A_349 : memref<4608xf32, #tpu.memory_space<hbm>>) target(%dma_start3A_348 : memref<4608xf32, #tpu.memory_space<vmem>>) target_semaphore(%arg11 : memref<!tpu.dma_semaphore, #tpu.memory_space<semaphore_mem>>)
    %dma_start3A_350 = arith.constant 36864 : i32
    %dma_start3A_351 = tpu.memref_slice %arg8[%dma_start3A_350] : memref<82944xf32, #tpu.memory_space<vmem>> -> memref<4608xf32, #tpu.memory_space<vmem>>
    %dma_start3A_352 = tpu.memref_slice %arg2[%mul3A_184] : memref<2359296xf32, #tpu.memory_space<hbm>> -> memref<4608xf32, #tpu.memory_space<hbm>>
    %dma_start3A_353 = arith.constant 36864 : i32
    %dma_start3A_354 = tpu.memref_slice %arg8[%dma_start3A_353] : memref<82944xf32, #tpu.memory_space<vmem>> -> memref<4608xf32, #tpu.memory_space<vmem>>
    %dma_start3A_355 = tpu.memref_slice %arg2[%mul3A_184] : memref<2359296xf32, #tpu.memory_space<hbm>> -> memref<4608xf32, #tpu.memory_space<hbm>>
    tpu.enqueue_dma source(%dma_start3A_355 : memref<4608xf32, #tpu.memory_space<hbm>>) target(%dma_start3A_354 : memref<4608xf32, #tpu.memory_space<vmem>>) target_semaphore(%arg11 : memref<!tpu.dma_semaphore, #tpu.memory_space<semaphore_mem>>)
    %dma_start3A_356 = arith.constant 41472 : i32
    %dma_start3A_357 = tpu.memref_slice %arg8[%dma_start3A_356] : memref<82944xf32, #tpu.memory_space<vmem>> -> memref<4608xf32, #tpu.memory_space<vmem>>
    %dma_start3A_358 = tpu.memref_slice %arg2[%mul3A_197] : memref<2359296xf32, #tpu.memory_space<hbm>> -> memref<4608xf32, #tpu.memory_space<hbm>>
    %dma_start3A_359 = arith.constant 41472 : i32
    %dma_start3A_360 = tpu.memref_slice %arg8[%dma_start3A_359] : memref<82944xf32, #tpu.memory_space<vmem>> -> memref<4608xf32, #tpu.memory_space<vmem>>
    %dma_start3A_361 = tpu.memref_slice %arg2[%mul3A_197] : memref<2359296xf32, #tpu.memory_space<hbm>> -> memref<4608xf32, #tpu.memory_space<hbm>>
    tpu.enqueue_dma source(%dma_start3A_361 : memref<4608xf32, #tpu.memory_space<hbm>>) target(%dma_start3A_360 : memref<4608xf32, #tpu.memory_space<vmem>>) target_semaphore(%arg11 : memref<!tpu.dma_semaphore, #tpu.memory_space<semaphore_mem>>)
    %dma_start3A_362 = arith.constant 46080 : i32
    %dma_start3A_363 = tpu.memref_slice %arg8[%dma_start3A_362] : memref<82944xf32, #tpu.memory_space<vmem>> -> memref<4608xf32, #tpu.memory_space<vmem>>
    %dma_start3A_364 = tpu.memref_slice %arg2[%mul3A_210] : memref<2359296xf32, #tpu.memory_space<hbm>> -> memref<4608xf32, #tpu.memory_space<hbm>>
    %dma_start3A_365 = arith.constant 46080 : i32
    %dma_start3A_366 = tpu.memref_slice %arg8[%dma_start3A_365] : memref<82944xf32, #tpu.memory_space<vmem>> -> memref<4608xf32, #tpu.memory_space<vmem>>
    %dma_start3A_367 = tpu.memref_slice %arg2[%mul3A_210] : memref<2359296xf32, #tpu.memory_space<hbm>> -> memref<4608xf32, #tpu.memory_space<hbm>>
    tpu.enqueue_dma source(%dma_start3A_367 : memref<4608xf32, #tpu.memory_space<hbm>>) target(%dma_start3A_366 : memref<4608xf32, #tpu.memory_space<vmem>>) target_semaphore(%arg11 : memref<!tpu.dma_semaphore, #tpu.memory_space<semaphore_mem>>)
    %dma_start3A_368 = arith.constant 50688 : i32
    %dma_start3A_369 = tpu.memref_slice %arg8[%dma_start3A_368] : memref<82944xf32, #tpu.memory_space<vmem>> -> memref<4608xf32, #tpu.memory_space<vmem>>
    %dma_start3A_370 = tpu.memref_slice %arg2[%mul3A_223] : memref<2359296xf32, #tpu.memory_space<hbm>> -> memref<4608xf32, #tpu.memory_space<hbm>>
    %dma_start3A_371 = arith.constant 50688 : i32
    %dma_start3A_372 = tpu.memref_slice %arg8[%dma_start3A_371] : memref<82944xf32, #tpu.memory_space<vmem>> -> memref<4608xf32, #tpu.memory_space<vmem>>
    %dma_start3A_373 = tpu.memref_slice %arg2[%mul3A_223] : memref<2359296xf32, #tpu.memory_space<hbm>> -> memref<4608xf32, #tpu.memory_space<hbm>>
    tpu.enqueue_dma source(%dma_start3A_373 : memref<4608xf32, #tpu.memory_space<hbm>>) target(%dma_start3A_372 : memref<4608xf32, #tpu.memory_space<vmem>>) target_semaphore(%arg11 : memref<!tpu.dma_semaphore, #tpu.memory_space<semaphore_mem>>)
    %dma_start3A_374 = arith.constant 55296 : i32
    %dma_start3A_375 = tpu.memref_slice %arg8[%dma_start3A_374] : memref<82944xf32, #tpu.memory_space<vmem>> -> memref<4608xf32, #tpu.memory_space<vmem>>
    %dma_start3A_376 = tpu.memref_slice %arg2[%mul3A_236] : memref<2359296xf32, #tpu.memory_space<hbm>> -> memref<4608xf32, #tpu.memory_space<hbm>>
    %dma_start3A_377 = arith.constant 55296 : i32
    %dma_start3A_378 = tpu.memref_slice %arg8[%dma_start3A_377] : memref<82944xf32, #tpu.memory_space<vmem>> -> memref<4608xf32, #tpu.memory_space<vmem>>
    %dma_start3A_379 = tpu.memref_slice %arg2[%mul3A_236] : memref<2359296xf32, #tpu.memory_space<hbm>> -> memref<4608xf32, #tpu.memory_space<hbm>>
    tpu.enqueue_dma source(%dma_start3A_379 : memref<4608xf32, #tpu.memory_space<hbm>>) target(%dma_start3A_378 : memref<4608xf32, #tpu.memory_space<vmem>>) target_semaphore(%arg11 : memref<!tpu.dma_semaphore, #tpu.memory_space<semaphore_mem>>)
    %dma_start3A_380 = arith.constant 59904 : i32
    %dma_start3A_381 = tpu.memref_slice %arg8[%dma_start3A_380] : memref<82944xf32, #tpu.memory_space<vmem>> -> memref<4608xf32, #tpu.memory_space<vmem>>
    %dma_start3A_382 = tpu.memref_slice %arg2[%mul3A_249] : memref<2359296xf32, #tpu.memory_space<hbm>> -> memref<4608xf32, #tpu.memory_space<hbm>>
    %dma_start3A_383 = arith.constant 59904 : i32
    %dma_start3A_384 = tpu.memref_slice %arg8[%dma_start3A_383] : memref<82944xf32, #tpu.memory_space<vmem>> -> memref<4608xf32, #tpu.memory_space<vmem>>
    %dma_start3A_385 = tpu.memref_slice %arg2[%mul3A_249] : memref<2359296xf32, #tpu.memory_space<hbm>> -> memref<4608xf32, #tpu.memory_space<hbm>>
    tpu.enqueue_dma source(%dma_start3A_385 : memref<4608xf32, #tpu.memory_space<hbm>>) target(%dma_start3A_384 : memref<4608xf32, #tpu.memory_space<vmem>>) target_semaphore(%arg11 : memref<!tpu.dma_semaphore, #tpu.memory_space<semaphore_mem>>)
    %dma_start3A_386 = arith.constant 64512 : i32
    %dma_start3A_387 = tpu.memref_slice %arg8[%dma_start3A_386] : memref<82944xf32, #tpu.memory_space<vmem>> -> memref<4608xf32, #tpu.memory_space<vmem>>
    %dma_start3A_388 = tpu.memref_slice %arg2[%mul3A_262] : memref<2359296xf32, #tpu.memory_space<hbm>> -> memref<4608xf32, #tpu.memory_space<hbm>>
    %dma_start3A_389 = arith.constant 64512 : i32
    %dma_start3A_390 = tpu.memref_slice %arg8[%dma_start3A_389] : memref<82944xf32, #tpu.memory_space<vmem>> -> memref<4608xf32, #tpu.memory_space<vmem>>
    %dma_start3A_391 = tpu.memref_slice %arg2[%mul3A_262] : memref<2359296xf32, #tpu.memory_space<hbm>> -> memref<4608xf32, #tpu.memory_space<hbm>>
    tpu.enqueue_dma source(%dma_start3A_391 : memref<4608xf32, #tpu.memory_space<hbm>>) target(%dma_start3A_390 : memref<4608xf32, #tpu.memory_space<vmem>>) target_semaphore(%arg11 : memref<!tpu.dma_semaphore, #tpu.memory_space<semaphore_mem>>)
    %dma_start3A_392 = arith.constant 69120 : i32
    %dma_start3A_393 = tpu.memref_slice %arg8[%dma_start3A_392] : memref<82944xf32, #tpu.memory_space<vmem>> -> memref<4608xf32, #tpu.memory_space<vmem>>
    %dma_start3A_394 = tpu.memref_slice %arg2[%mul3A_275] : memref<2359296xf32, #tpu.memory_space<hbm>> -> memref<4608xf32, #tpu.memory_space<hbm>>
    %dma_start3A_395 = arith.constant 69120 : i32
    %dma_start3A_396 = tpu.memref_slice %arg8[%dma_start3A_395] : memref<82944xf32, #tpu.memory_space<vmem>> -> memref<4608xf32, #tpu.memory_space<vmem>>
    %dma_start3A_397 = tpu.memref_slice %arg2[%mul3A_275] : memref<2359296xf32, #tpu.memory_space<hbm>> -> memref<4608xf32, #tpu.memory_space<hbm>>
    tpu.enqueue_dma source(%dma_start3A_397 : memref<4608xf32, #tpu.memory_space<hbm>>) target(%dma_start3A_396 : memref<4608xf32, #tpu.memory_space<vmem>>) target_semaphore(%arg11 : memref<!tpu.dma_semaphore, #tpu.memory_space<semaphore_mem>>)
    %dma_start3A_398 = arith.constant 73728 : i32
    %dma_start3A_399 = tpu.memref_slice %arg8[%dma_start3A_398] : memref<82944xf32, #tpu.memory_space<vmem>> -> memref<4608xf32, #tpu.memory_space<vmem>>
    %dma_start3A_400 = tpu.memref_slice %arg2[%mul3A_288] : memref<2359296xf32, #tpu.memory_space<hbm>> -> memref<4608xf32, #tpu.memory_space<hbm>>
    %dma_start3A_401 = arith.constant 73728 : i32
    %dma_start3A_402 = tpu.memref_slice %arg8[%dma_start3A_401] : memref<82944xf32, #tpu.memory_space<vmem>> -> memref<4608xf32, #tpu.memory_space<vmem>>
    %dma_start3A_403 = tpu.memref_slice %arg2[%mul3A_288] : memref<2359296xf32, #tpu.memory_space<hbm>> -> memref<4608xf32, #tpu.memory_space<hbm>>
    tpu.enqueue_dma source(%dma_start3A_403 : memref<4608xf32, #tpu.memory_space<hbm>>) target(%dma_start3A_402 : memref<4608xf32, #tpu.memory_space<vmem>>) target_semaphore(%arg11 : memref<!tpu.dma_semaphore, #tpu.memory_space<semaphore_mem>>)
    %dma_start3A_404 = arith.constant 78336 : i32
    %dma_start3A_405 = tpu.memref_slice %arg8[%dma_start3A_404] : memref<82944xf32, #tpu.memory_space<vmem>> -> memref<4608xf32, #tpu.memory_space<vmem>>
    %dma_start3A_406 = tpu.memref_slice %arg2[%mul3A_301] : memref<2359296xf32, #tpu.memory_space<hbm>> -> memref<4608xf32, #tpu.memory_space<hbm>>
    %dma_start3A_407 = arith.constant 78336 : i32
    %dma_start3A_408 = tpu.memref_slice %arg8[%dma_start3A_407] : memref<82944xf32, #tpu.memory_space<vmem>> -> memref<4608xf32, #tpu.memory_space<vmem>>
    %dma_start3A_409 = tpu.memref_slice %arg2[%mul3A_301] : memref<2359296xf32, #tpu.memory_space<hbm>> -> memref<4608xf32, #tpu.memory_space<hbm>>
    tpu.enqueue_dma source(%dma_start3A_409 : memref<4608xf32, #tpu.memory_space<hbm>>) target(%dma_start3A_408 : memref<4608xf32, #tpu.memory_space<vmem>>) target_semaphore(%arg11 : memref<!tpu.dma_semaphore, #tpu.memory_space<semaphore_mem>>)
    %scan3A = arith.constant 0 : i32
    %scan3A_410 = arith.constant 0 : i32
    %scan3A_411 = arith.constant 512 : i32
    %scan3A_412 = arith.addi %scan3A_410, %scan3A_411 : i32
    %scan3A_413 = arith.constant 1 : i32
    %scan3A_414 = scf.for %scan3A_774 = %scan3A_410 to %scan3A_412 step %scan3A_413 iter_args(%scan3A_775 = %scan3A) -> (i32)  : i32 {
      %mul3A_776 = arith.constant 16 : i32
      %mul3A_777 = arith.muli %scan3A_774, %mul3A_776 : i32
      %swap3A_778 = arith.index_cast %mul3A_777 : i32 to index
      %swap3A_779 = tpu.vector_load %arg6[%swap3A_778] {strides = array<i32>} : memref<8192xf32, #tpu.memory_space<vmem>>, vector<16xf32>,
      tpu.vector_store %arg6[%swap3A_778], %broadcast_in_dim3A_0 {strides = array<i32>} : memref<8192xf32, #tpu.memory_space<vmem>>, vector<16xf32>,
      %scan3A_780 = arith.constant 0 : i32
      scf.yield %scan3A_780 : i32
    }
    %scan3A_415 = arith.constant 512 : i32
    %mul3A_416 = arith.constant 131072 : i32
    %mul3A_417 = arith.muli %arg0, %mul3A_416 : i32
    %mul3A_418 = arith.constant 8192 : i32
    %mul3A_419 = arith.muli %arg1, %mul3A_418 : i32
    %add3A_420 = arith.addi %mul3A_417, %mul3A_419 : i32
    %dma_start3A_421 = tpu.memref_slice %arg4[%add3A_420] : memref<327680xf32, #tpu.memory_space<hbm>> -> memref<8192xf32, #tpu.memory_space<hbm>>
    %dma_start3A_422 = tpu.memref_slice %arg4[%add3A_420] : memref<327680xf32, #tpu.memory_space<hbm>> -> memref<8192xf32, #tpu.memory_space<hbm>>
    tpu.enqueue_dma source(%arg6 : memref<8192xf32, #tpu.memory_space<vmem>>) target(%dma_start3A_422 : memref<8192xf32, #tpu.memory_space<hbm>>) target_semaphore(%arg12 : memref<!tpu.dma_semaphore, #tpu.memory_space<semaphore_mem>>)
    %dma_wait3A_423 = tpu.memref_slice %arg4[%add3A_420] : memref<327680xf32, #tpu.memory_space<hbm>> -> memref<8192xf32, #tpu.memory_space<hbm>>
    %dma_wait3A_424 = tpu.memref_slice %arg4[%add3A_420] : memref<327680xf32, #tpu.memory_space<hbm>> -> memref<8192xf32, #tpu.memory_space<hbm>>
    tpu.wait_dma2 semaphore(%arg12 : memref<!tpu.dma_semaphore, #tpu.memory_space<semaphore_mem>>) src(%arg6 : memref<8192xf32, #tpu.memory_space<vmem>>) dst(%dma_wait3A_424 : memref<8192xf32, #tpu.memory_space<hbm>>)
    %barrier3A = arith.constant 0 : index
    tpu.barrier barrier_id(%barrier3A)
    %mul3A_425 = arith.constant 2 : i32
    %mul3A_426 = arith.muli %mul3A_425, %arg0 : i32
    %add3A_427 = arith.constant 0 : i32
    %add3A_428 = arith.addi %mul3A_426, %add3A_427 : i32
    %mul3A_429 = arith.constant 9 : i32
    %mul3A_430 = arith.muli %add3A_428, %mul3A_429 : i32
    %add3A_431 = arith.constant 0 : i32
    %add3A_432 = arith.addi %mul3A_430, %add3A_431 : i32
    %mul3A_433 = arith.constant 256 : i32
    %mul3A_434 = arith.muli %add3A_432, %mul3A_433 : i32
    %add3A_435 = arith.addi %mul3A_434, %min3A : i32
    %mul3A_436 = arith.constant 256 : i32
    %mul3A_437 = arith.muli %add3A_435, %mul3A_436 : i32
    %mul3A_438 = arith.constant 2 : i32
    %mul3A_439 = arith.muli %mul3A_438, %arg0 : i32
    %add3A_440 = arith.constant 0 : i32
    %add3A_441 = arith.addi %mul3A_439, %add3A_440 : i32
    %mul3A_442 = arith.constant 9 : i32
    %mul3A_443 = arith.muli %add3A_441, %mul3A_442 : i32
    %add3A_444 = arith.constant 1 : i32
    %add3A_445 = arith.addi %mul3A_443, %add3A_444 : i32
    %mul3A_446 = arith.constant 256 : i32
    %mul3A_447 = arith.muli %add3A_445, %mul3A_446 : i32
    %add3A_448 = arith.addi %mul3A_447, %min3A : i32
    %mul3A_449 = arith.constant 256 : i32
    %mul3A_450 = arith.muli %add3A_448, %mul3A_449 : i32
    %mul3A_451 = arith.constant 2 : i32
    %mul3A_452 = arith.muli %mul3A_451, %arg0 : i32
    %add3A_453 = arith.constant 0 : i32
    %add3A_454 = arith.addi %mul3A_452, %add3A_453 : i32
    %mul3A_455 = arith.constant 9 : i32
    %mul3A_456 = arith.muli %add3A_454, %mul3A_455 : i32
    %add3A_457 = arith.constant 2 : i32
    %add3A_458 = arith.addi %mul3A_456, %add3A_457 : i32
    %mul3A_459 = arith.constant 256 : i32
    %mul3A_460 = arith.muli %add3A_458, %mul3A_459 : i32
    %add3A_461 = arith.addi %mul3A_460, %min3A : i32
    %mul3A_462 = arith.constant 256 : i32
    %mul3A_463 = arith.muli %add3A_461, %mul3A_462 : i32
    %mul3A_464 = arith.constant 2 : i32
    %mul3A_465 = arith.muli %mul3A_464, %arg0 : i32
    %add3A_466 = arith.constant 0 : i32
    %add3A_467 = arith.addi %mul3A_465, %add3A_466 : i32
    %mul3A_468 = arith.constant 9 : i32
    %mul3A_469 = arith.muli %add3A_467, %mul3A_468 : i32
    %add3A_470 = arith.constant 3 : i32
    %add3A_471 = arith.addi %mul3A_469, %add3A_470 : i32
    %mul3A_472 = arith.constant 256 : i32
    %mul3A_473 = arith.muli %add3A_471, %mul3A_472 : i32
    %add3A_474 = arith.addi %mul3A_473, %min3A : i32
    %mul3A_475 = arith.constant 256 : i32
    %mul3A_476 = arith.muli %add3A_474, %mul3A_475 : i32
    %mul3A_477 = arith.constant 2 : i32
    %mul3A_478 = arith.muli %mul3A_477, %arg0 : i32
    %add3A_479 = arith.constant 0 : i32
    %add3A_480 = arith.addi %mul3A_478, %add3A_479 : i32
    %mul3A_481 = arith.constant 9 : i32
    %mul3A_482 = arith.muli %add3A_480, %mul3A_481 : i32
    %add3A_483 = arith.constant 4 : i32
    %add3A_484 = arith.addi %mul3A_482, %add3A_483 : i32
    %mul3A_485 = arith.constant 256 : i32
    %mul3A_486 = arith.muli %add3A_484, %mul3A_485 : i32
    %add3A_487 = arith.addi %mul3A_486, %min3A : i32
    %mul3A_488 = arith.constant 256 : i32
    %mul3A_489 = arith.muli %add3A_487, %mul3A_488 : i32
    %mul3A_490 = arith.constant 2 : i32
    %mul3A_491 = arith.muli %mul3A_490, %arg0 : i32
    %add3A_492 = arith.constant 0 : i32
    %add3A_493 = arith.addi %mul3A_491, %add3A_492 : i32
    %mul3A_494 = arith.constant 9 : i32
    %mul3A_495 = arith.muli %add3A_493, %mul3A_494 : i32
    %add3A_496 = arith.constant 5 : i32
    %add3A_497 = arith.addi %mul3A_495, %add3A_496 : i32
    %mul3A_498 = arith.constant 256 : i32
    %mul3A_499 = arith.muli %add3A_497, %mul3A_498 : i32
    %add3A_500 = arith.addi %mul3A_499, %min3A : i32
    %mul3A_501 = arith.constant 256 : i32
    %mul3A_502 = arith.muli %add3A_500, %mul3A_501 : i32
    %mul3A_503 = arith.constant 2 : i32
    %mul3A_504 = arith.muli %mul3A_503, %arg0 : i32
    %add3A_505 = arith.constant 0 : i32
    %add3A_506 = arith.addi %mul3A_504, %add3A_505 : i32
    %mul3A_507 = arith.constant 9 : i32
    %mul3A_508 = arith.muli %add3A_506, %mul3A_507 : i32
    %add3A_509 = arith.constant 6 : i32
    %add3A_510 = arith.addi %mul3A_508, %add3A_509 : i32
    %mul3A_511 = arith.constant 256 : i32
    %mul3A_512 = arith.muli %add3A_510, %mul3A_511 : i32
    %add3A_513 = arith.addi %mul3A_512, %min3A : i32
    %mul3A_514 = arith.constant 256 : i32
    %mul3A_515 = arith.muli %add3A_513, %mul3A_514 : i32
    %mul3A_516 = arith.constant 2 : i32
    %mul3A_517 = arith.muli %mul3A_516, %arg0 : i32
    %add3A_518 = arith.constant 0 : i32
    %add3A_519 = arith.addi %mul3A_517, %add3A_518 : i32
    %mul3A_520 = arith.constant 9 : i32
    %mul3A_521 = arith.muli %add3A_519, %mul3A_520 : i32
    %add3A_522 = arith.constant 7 : i32
    %add3A_523 = arith.addi %mul3A_521, %add3A_522 : i32
    %mul3A_524 = arith.constant 256 : i32
    %mul3A_525 = arith.muli %add3A_523, %mul3A_524 : i32
    %add3A_526 = arith.addi %mul3A_525, %min3A : i32
    %mul3A_527 = arith.constant 256 : i32
    %mul3A_528 = arith.muli %add3A_526, %mul3A_527 : i32
    %mul3A_529 = arith.constant 2 : i32
    %mul3A_530 = arith.muli %mul3A_529, %arg0 : i32
    %add3A_531 = arith.constant 0 : i32
    %add3A_532 = arith.addi %mul3A_530, %add3A_531 : i32
    %mul3A_533 = arith.constant 9 : i32
    %mul3A_534 = arith.muli %add3A_532, %mul3A_533 : i32
    %add3A_535 = arith.constant 8 : i32
    %add3A_536 = arith.addi %mul3A_534, %add3A_535 : i32
    %mul3A_537 = arith.constant 256 : i32
    %mul3A_538 = arith.muli %add3A_536, %mul3A_537 : i32
    %add3A_539 = arith.addi %mul3A_538, %min3A : i32
    %mul3A_540 = arith.constant 256 : i32
    %mul3A_541 = arith.muli %add3A_539, %mul3A_540 : i32
    %mul3A_542 = arith.constant 2 : i32
    %mul3A_543 = arith.muli %mul3A_542, %arg0 : i32
    %add3A_544 = arith.constant 1 : i32
    %add3A_545 = arith.addi %mul3A_543, %add3A_544 : i32
    %mul3A_546 = arith.constant 9 : i32
    %mul3A_547 = arith.muli %add3A_545, %mul3A_546 : i32
    %add3A_548 = arith.constant 0 : i32
    %add3A_549 = arith.addi %mul3A_547, %add3A_548 : i32
    %mul3A_550 = arith.constant 256 : i32
    %mul3A_551 = arith.muli %add3A_549, %mul3A_550 : i32
    %add3A_552 = arith.addi %mul3A_551, %min3A : i32
    %mul3A_553 = arith.constant 256 : i32
    %mul3A_554 = arith.muli %add3A_552, %mul3A_553 : i32
    %mul3A_555 = arith.constant 2 : i32
    %mul3A_556 = arith.muli %mul3A_555, %arg0 : i32
    %add3A_557 = arith.constant 1 : i32
    %add3A_558 = arith.addi %mul3A_556, %add3A_557 : i32
    %mul3A_559 = arith.constant 9 : i32
    %mul3A_560 = arith.muli %add3A_558, %mul3A_559 : i32
    %add3A_561 = arith.constant 1 : i32
    %add3A_562 = arith.addi %mul3A_560, %add3A_561 : i32
    %mul3A_563 = arith.constant 256 : i32
    %mul3A_564 = arith.muli %add3A_562, %mul3A_563 : i32
    %add3A_565 = arith.addi %mul3A_564, %min3A : i32
    %mul3A_566 = arith.constant 256 : i32
    %mul3A_567 = arith.muli %add3A_565, %mul3A_566 : i32
    %mul3A_568 = arith.constant 2 : i32
    %mul3A_569 = arith.muli %mul3A_568, %arg0 : i32
    %add3A_570 = arith.constant 1 : i32
    %add3A_571 = arith.addi %mul3A_569, %add3A_570 : i32
    %mul3A_572 = arith.constant 9 : i32
    %mul3A_573 = arith.muli %add3A_571, %mul3A_572 : i32
    %add3A_574 = arith.constant 2 : i32
    %add3A_575 = arith.addi %mul3A_573, %add3A_574 : i32
    %mul3A_576 = arith.constant 256 : i32
    %mul3A_577 = arith.muli %add3A_575, %mul3A_576 : i32
    %add3A_578 = arith.addi %mul3A_577, %min3A : i32
    %mul3A_579 = arith.constant 256 : i32
    %mul3A_580 = arith.muli %add3A_578, %mul3A_579 : i32
    %mul3A_581 = arith.constant 2 : i32
    %mul3A_582 = arith.muli %mul3A_581, %arg0 : i32
    %add3A_583 = arith.constant 1 : i32
    %add3A_584 = arith.addi %mul3A_582, %add3A_583 : i32
    %mul3A_585 = arith.constant 9 : i32
    %mul3A_586 = arith.muli %add3A_584, %mul3A_585 : i32
    %add3A_587 = arith.constant 3 : i32
    %add3A_588 = arith.addi %mul3A_586, %add3A_587 : i32
    %mul3A_589 = arith.constant 256 : i32
    %mul3A_590 = arith.muli %add3A_588, %mul3A_589 : i32
    %add3A_591 = arith.addi %mul3A_590, %min3A : i32
    %mul3A_592 = arith.constant 256 : i32
    %mul3A_593 = arith.muli %add3A_591, %mul3A_592 : i32
    %mul3A_594 = arith.constant 2 : i32
    %mul3A_595 = arith.muli %mul3A_594, %arg0 : i32
    %add3A_596 = arith.constant 1 : i32
    %add3A_597 = arith.addi %mul3A_595, %add3A_596 : i32
    %mul3A_598 = arith.constant 9 : i32
    %mul3A_599 = arith.muli %add3A_597, %mul3A_598 : i32
    %add3A_600 = arith.constant 4 : i32
    %add3A_601 = arith.addi %mul3A_599, %add3A_600 : i32
    %mul3A_602 = arith.constant 256 : i32
    %mul3A_603 = arith.muli %add3A_601, %mul3A_602 : i32
    %add3A_604 = arith.addi %mul3A_603, %min3A : i32
    %mul3A_605 = arith.constant 256 : i32
    %mul3A_606 = arith.muli %add3A_604, %mul3A_605 : i32
    %mul3A_607 = arith.constant 2 : i32
    %mul3A_608 = arith.muli %mul3A_607, %arg0 : i32
    %add3A_609 = arith.constant 1 : i32
    %add3A_610 = arith.addi %mul3A_608, %add3A_609 : i32
    %mul3A_611 = arith.constant 9 : i32
    %mul3A_612 = arith.muli %add3A_610, %mul3A_611 : i32
    %add3A_613 = arith.constant 5 : i32
    %add3A_614 = arith.addi %mul3A_612, %add3A_613 : i32
    %mul3A_615 = arith.constant 256 : i32
    %mul3A_616 = arith.muli %add3A_614, %mul3A_615 : i32
    %add3A_617 = arith.addi %mul3A_616, %min3A : i32
    %mul3A_618 = arith.constant 256 : i32
    %mul3A_619 = arith.muli %add3A_617, %mul3A_618 : i32
    %mul3A_620 = arith.constant 2 : i32
    %mul3A_621 = arith.muli %mul3A_620, %arg0 : i32
    %add3A_622 = arith.constant 1 : i32
    %add3A_623 = arith.addi %mul3A_621, %add3A_622 : i32
    %mul3A_624 = arith.constant 9 : i32
    %mul3A_625 = arith.muli %add3A_623, %mul3A_624 : i32
    %add3A_626 = arith.constant 6 : i32
    %add3A_627 = arith.addi %mul3A_625, %add3A_626 : i32
    %mul3A_628 = arith.constant 256 : i32
    %mul3A_629 = arith.muli %add3A_627, %mul3A_628 : i32
    %add3A_630 = arith.addi %mul3A_629, %min3A : i32
    %mul3A_631 = arith.constant 256 : i32
    %mul3A_632 = arith.muli %add3A_630, %mul3A_631 : i32
    %mul3A_633 = arith.constant 2 : i32
    %mul3A_634 = arith.muli %mul3A_633, %arg0 : i32
    %add3A_635 = arith.constant 1 : i32
    %add3A_636 = arith.addi %mul3A_634, %add3A_635 : i32
    %mul3A_637 = arith.constant 9 : i32
    %mul3A_638 = arith.muli %add3A_636, %mul3A_637 : i32
    %add3A_639 = arith.constant 7 : i32
    %add3A_640 = arith.addi %mul3A_638, %add3A_639 : i32
    %mul3A_641 = arith.constant 256 : i32
    %mul3A_642 = arith.muli %add3A_640, %mul3A_641 : i32
    %add3A_643 = arith.addi %mul3A_642, %min3A : i32
    %mul3A_644 = arith.constant 256 : i32
    %mul3A_645 = arith.muli %add3A_643, %mul3A_644 : i32
    %mul3A_646 = arith.constant 2 : i32
    %mul3A_647 = arith.muli %mul3A_646, %arg0 : i32
    %add3A_648 = arith.constant 1 : i32
    %add3A_649 = arith.addi %mul3A_647, %add3A_648 : i32
    %mul3A_650 = arith.constant 9 : i32
    %mul3A_651 = arith.muli %add3A_649, %mul3A_650 : i32
    %add3A_652 = arith.constant 8 : i32
    %add3A_653 = arith.addi %mul3A_651, %add3A_652 : i32
    %mul3A_654 = arith.constant 256 : i32
    %mul3A_655 = arith.muli %add3A_653, %mul3A_654 : i32
    %add3A_656 = arith.addi %mul3A_655, %min3A : i32
    %mul3A_657 = arith.constant 256 : i32
    %mul3A_658 = arith.muli %add3A_656, %mul3A_657 : i32
    %dma_wait3A_659 = arith.constant 0 : i32
    %dma_wait3A_660 = tpu.memref_slice %arg8[%dma_wait3A_659] : memref<82944xf32, #tpu.memory_space<vmem>> -> memref<4608xf32, #tpu.memory_space<vmem>>
    %dma_wait3A_661 = tpu.memref_slice %arg2[%mul3A_437] : memref<2359296xf32, #tpu.memory_space<hbm>> -> memref<4608xf32, #tpu.memory_space<hbm>>
    %dma_wait3A_662 = arith.constant 0 : i32
    %dma_wait3A_663 = tpu.memref_slice %arg8[%dma_wait3A_662] : memref<82944xf32, #tpu.memory_space<vmem>> -> memref<4608xf32, #tpu.memory_space<vmem>>
    %dma_wait3A_664 = tpu.memref_slice %arg2[%mul3A_437] : memref<2359296xf32, #tpu.memory_space<hbm>> -> memref<4608xf32, #tpu.memory_space<hbm>>
    tpu.wait_dma2 semaphore(%arg11 : memref<!tpu.dma_semaphore, #tpu.memory_space<semaphore_mem>>) src(%dma_wait3A_664 : memref<4608xf32, #tpu.memory_space<hbm>>) dst(%dma_wait3A_663 : memref<4608xf32, #tpu.memory_space<vmem>>)
    %dma_wait3A_665 = arith.constant 4608 : i32
    %dma_wait3A_666 = tpu.memref_slice %arg8[%dma_wait3A_665] : memref<82944xf32, #tpu.memory_space<vmem>> -> memref<4608xf32, #tpu.memory_space<vmem>>
    %dma_wait3A_667 = tpu.memref_slice %arg2[%mul3A_450] : memref<2359296xf32, #tpu.memory_space<hbm>> -> memref<4608xf32, #tpu.memory_space<hbm>>
    %dma_wait3A_668 = arith.constant 4608 : i32
    %dma_wait3A_669 = tpu.memref_slice %arg8[%dma_wait3A_668] : memref<82944xf32, #tpu.memory_space<vmem>> -> memref<4608xf32, #tpu.memory_space<vmem>>
    %dma_wait3A_670 = tpu.memref_slice %arg2[%mul3A_450] : memref<2359296xf32, #tpu.memory_space<hbm>> -> memref<4608xf32, #tpu.memory_space<hbm>>
    tpu.wait_dma2 semaphore(%arg11 : memref<!tpu.dma_semaphore, #tpu.memory_space<semaphore_mem>>) src(%dma_wait3A_670 : memref<4608xf32, #tpu.memory_space<hbm>>) dst(%dma_wait3A_669 : memref<4608xf32, #tpu.memory_space<vmem>>)
    %dma_wait3A_671 = arith.constant 9216 : i32
    %dma_wait3A_672 = tpu.memref_slice %arg8[%dma_wait3A_671] : memref<82944xf32, #tpu.memory_space<vmem>> -> memref<4608xf32, #tpu.memory_space<vmem>>
    %dma_wait3A_673 = tpu.memref_slice %arg2[%mul3A_463] : memref<2359296xf32, #tpu.memory_space<hbm>> -> memref<4608xf32, #tpu.memory_space<hbm>>
    %dma_wait3A_674 = arith.constant 9216 : i32
    %dma_wait3A_675 = tpu.memref_slice %arg8[%dma_wait3A_674] : memref<82944xf32, #tpu.memory_space<vmem>> -> memref<4608xf32, #tpu.memory_space<vmem>>
    %dma_wait3A_676 = tpu.memref_slice %arg2[%mul3A_463] : memref<2359296xf32, #tpu.memory_space<hbm>> -> memref<4608xf32, #tpu.memory_space<hbm>>
    tpu.wait_dma2 semaphore(%arg11 : memref<!tpu.dma_semaphore, #tpu.memory_space<semaphore_mem>>) src(%dma_wait3A_676 : memref<4608xf32, #tpu.memory_space<hbm>>) dst(%dma_wait3A_675 : memref<4608xf32, #tpu.memory_space<vmem>>)
    %dma_wait3A_677 = arith.constant 13824 : i32
    %dma_wait3A_678 = tpu.memref_slice %arg8[%dma_wait3A_677] : memref<82944xf32, #tpu.memory_space<vmem>> -> memref<4608xf32, #tpu.memory_space<vmem>>
    %dma_wait3A_679 = tpu.memref_slice %arg2[%mul3A_476] : memref<2359296xf32, #tpu.memory_space<hbm>> -> memref<4608xf32, #tpu.memory_space<hbm>>
    %dma_wait3A_680 = arith.constant 13824 : i32
    %dma_wait3A_681 = tpu.memref_slice %arg8[%dma_wait3A_680] : memref<82944xf32, #tpu.memory_space<vmem>> -> memref<4608xf32, #tpu.memory_space<vmem>>
    %dma_wait3A_682 = tpu.memref_slice %arg2[%mul3A_476] : memref<2359296xf32, #tpu.memory_space<hbm>> -> memref<4608xf32, #tpu.memory_space<hbm>>
    tpu.wait_dma2 semaphore(%arg11 : memref<!tpu.dma_semaphore, #tpu.memory_space<semaphore_mem>>) src(%dma_wait3A_682 : memref<4608xf32, #tpu.memory_space<hbm>>) dst(%dma_wait3A_681 : memref<4608xf32, #tpu.memory_space<vmem>>)
    %dma_wait3A_683 = arith.constant 18432 : i32
    %dma_wait3A_684 = tpu.memref_slice %arg8[%dma_wait3A_683] : memref<82944xf32, #tpu.memory_space<vmem>> -> memref<4608xf32, #tpu.memory_space<vmem>>
    %dma_wait3A_685 = tpu.memref_slice %arg2[%mul3A_489] : memref<2359296xf32, #tpu.memory_space<hbm>> -> memref<4608xf32, #tpu.memory_space<hbm>>
    %dma_wait3A_686 = arith.constant 18432 : i32
    %dma_wait3A_687 = tpu.memref_slice %arg8[%dma_wait3A_686] : memref<82944xf32, #tpu.memory_space<vmem>> -> memref<4608xf32, #tpu.memory_space<vmem>>
    %dma_wait3A_688 = tpu.memref_slice %arg2[%mul3A_489] : memref<2359296xf32, #tpu.memory_space<hbm>> -> memref<4608xf32, #tpu.memory_space<hbm>>
    tpu.wait_dma2 semaphore(%arg11 : memref<!tpu.dma_semaphore, #tpu.memory_space<semaphore_mem>>) src(%dma_wait3A_688 : memref<4608xf32, #tpu.memory_space<hbm>>) dst(%dma_wait3A_687 : memref<4608xf32, #tpu.memory_space<vmem>>)
    %dma_wait3A_689 = arith.constant 23040 : i32
    %dma_wait3A_690 = tpu.memref_slice %arg8[%dma_wait3A_689] : memref<82944xf32, #tpu.memory_space<vmem>> -> memref<4608xf32, #tpu.memory_space<vmem>>
    %dma_wait3A_691 = tpu.memref_slice %arg2[%mul3A_502] : memref<2359296xf32, #tpu.memory_space<hbm>> -> memref<4608xf32, #tpu.memory_space<hbm>>
    %dma_wait3A_692 = arith.constant 23040 : i32
    %dma_wait3A_693 = tpu.memref_slice %arg8[%dma_wait3A_692] : memref<82944xf32, #tpu.memory_space<vmem>> -> memref<4608xf32, #tpu.memory_space<vmem>>
    %dma_wait3A_694 = tpu.memref_slice %arg2[%mul3A_502] : memref<2359296xf32, #tpu.memory_space<hbm>> -> memref<4608xf32, #tpu.memory_space<hbm>>
    tpu.wait_dma2 semaphore(%arg11 : memref<!tpu.dma_semaphore, #tpu.memory_space<semaphore_mem>>) src(%dma_wait3A_694 : memref<4608xf32, #tpu.memory_space<hbm>>) dst(%dma_wait3A_693 : memref<4608xf32, #tpu.memory_space<vmem>>)
    %dma_wait3A_695 = arith.constant 27648 : i32
    %dma_wait3A_696 = tpu.memref_slice %arg8[%dma_wait3A_695] : memref<82944xf32, #tpu.memory_space<vmem>> -> memref<4608xf32, #tpu.memory_space<vmem>>
    %dma_wait3A_697 = tpu.memref_slice %arg2[%mul3A_515] : memref<2359296xf32, #tpu.memory_space<hbm>> -> memref<4608xf32, #tpu.memory_space<hbm>>
    %dma_wait3A_698 = arith.constant 27648 : i32
    %dma_wait3A_699 = tpu.memref_slice %arg8[%dma_wait3A_698] : memref<82944xf32, #tpu.memory_space<vmem>> -> memref<4608xf32, #tpu.memory_space<vmem>>
    %dma_wait3A_700 = tpu.memref_slice %arg2[%mul3A_515] : memref<2359296xf32, #tpu.memory_space<hbm>> -> memref<4608xf32, #tpu.memory_space<hbm>>
    tpu.wait_dma2 semaphore(%arg11 : memref<!tpu.dma_semaphore, #tpu.memory_space<semaphore_mem>>) src(%dma_wait3A_700 : memref<4608xf32, #tpu.memory_space<hbm>>) dst(%dma_wait3A_699 : memref<4608xf32, #tpu.memory_space<vmem>>)
    %dma_wait3A_701 = arith.constant 32256 : i32
    %dma_wait3A_702 = tpu.memref_slice %arg8[%dma_wait3A_701] : memref<82944xf32, #tpu.memory_space<vmem>> -> memref<4608xf32, #tpu.memory_space<vmem>>
    %dma_wait3A_703 = tpu.memref_slice %arg2[%mul3A_528] : memref<2359296xf32, #tpu.memory_space<hbm>> -> memref<4608xf32, #tpu.memory_space<hbm>>
    %dma_wait3A_704 = arith.constant 32256 : i32
    %dma_wait3A_705 = tpu.memref_slice %arg8[%dma_wait3A_704] : memref<82944xf32, #tpu.memory_space<vmem>> -> memref<4608xf32, #tpu.memory_space<vmem>>
    %dma_wait3A_706 = tpu.memref_slice %arg2[%mul3A_528] : memref<2359296xf32, #tpu.memory_space<hbm>> -> memref<4608xf32, #tpu.memory_space<hbm>>
    tpu.wait_dma2 semaphore(%arg11 : memref<!tpu.dma_semaphore, #tpu.memory_space<semaphore_mem>>) src(%dma_wait3A_706 : memref<4608xf32, #tpu.memory_space<hbm>>) dst(%dma_wait3A_705 : memref<4608xf32, #tpu.memory_space<vmem>>)
    %dma_wait3A_707 = arith.constant 36864 : i32
    %dma_wait3A_708 = tpu.memref_slice %arg8[%dma_wait3A_707] : memref<82944xf32, #tpu.memory_space<vmem>> -> memref<4608xf32, #tpu.memory_space<vmem>>
    %dma_wait3A_709 = tpu.memref_slice %arg2[%mul3A_541] : memref<2359296xf32, #tpu.memory_space<hbm>> -> memref<4608xf32, #tpu.memory_space<hbm>>
    %dma_wait3A_710 = arith.constant 36864 : i32
    %dma_wait3A_711 = tpu.memref_slice %arg8[%dma_wait3A_710] : memref<82944xf32, #tpu.memory_space<vmem>> -> memref<4608xf32, #tpu.memory_space<vmem>>
    %dma_wait3A_712 = tpu.memref_slice %arg2[%mul3A_541] : memref<2359296xf32, #tpu.memory_space<hbm>> -> memref<4608xf32, #tpu.memory_space<hbm>>
    tpu.wait_dma2 semaphore(%arg11 : memref<!tpu.dma_semaphore, #tpu.memory_space<semaphore_mem>>) src(%dma_wait3A_712 : memref<4608xf32, #tpu.memory_space<hbm>>) dst(%dma_wait3A_711 : memref<4608xf32, #tpu.memory_space<vmem>>)
    %dma_wait3A_713 = arith.constant 41472 : i32
    %dma_wait3A_714 = tpu.memref_slice %arg8[%dma_wait3A_713] : memref<82944xf32, #tpu.memory_space<vmem>> -> memref<4608xf32, #tpu.memory_space<vmem>>
    %dma_wait3A_715 = tpu.memref_slice %arg2[%mul3A_554] : memref<2359296xf32, #tpu.memory_space<hbm>> -> memref<4608xf32, #tpu.memory_space<hbm>>
    %dma_wait3A_716 = arith.constant 41472 : i32
    %dma_wait3A_717 = tpu.memref_slice %arg8[%dma_wait3A_716] : memref<82944xf32, #tpu.memory_space<vmem>> -> memref<4608xf32, #tpu.memory_space<vmem>>
    %dma_wait3A_718 = tpu.memref_slice %arg2[%mul3A_554] : memref<2359296xf32, #tpu.memory_space<hbm>> -> memref<4608xf32, #tpu.memory_space<hbm>>
    tpu.wait_dma2 semaphore(%arg11 : memref<!tpu.dma_semaphore, #tpu.memory_space<semaphore_mem>>) src(%dma_wait3A_718 : memref<4608xf32, #tpu.memory_space<hbm>>) dst(%dma_wait3A_717 : memref<4608xf32, #tpu.memory_space<vmem>>)
    %dma_wait3A_719 = arith.constant 46080 : i32
    %dma_wait3A_720 = tpu.memref_slice %arg8[%dma_wait3A_719] : memref<82944xf32, #tpu.memory_space<vmem>> -> memref<4608xf32, #tpu.memory_space<vmem>>
    %dma_wait3A_721 = tpu.memref_slice %arg2[%mul3A_567] : memref<2359296xf32, #tpu.memory_space<hbm>> -> memref<4608xf32, #tpu.memory_space<hbm>>
    %dma_wait3A_722 = arith.constant 46080 : i32
    %dma_wait3A_723 = tpu.memref_slice %arg8[%dma_wait3A_722] : memref<82944xf32, #tpu.memory_space<vmem>> -> memref<4608xf32, #tpu.memory_space<vmem>>
    %dma_wait3A_724 = tpu.memref_slice %arg2[%mul3A_567] : memref<2359296xf32, #tpu.memory_space<hbm>> -> memref<4608xf32, #tpu.memory_space<hbm>>
    tpu.wait_dma2 semaphore(%arg11 : memref<!tpu.dma_semaphore, #tpu.memory_space<semaphore_mem>>) src(%dma_wait3A_724 : memref<4608xf32, #tpu.memory_space<hbm>>) dst(%dma_wait3A_723 : memref<4608xf32, #tpu.memory_space<vmem>>)
    %dma_wait3A_725 = arith.constant 50688 : i32
    %dma_wait3A_726 = tpu.memref_slice %arg8[%dma_wait3A_725] : memref<82944xf32, #tpu.memory_space<vmem>> -> memref<4608xf32, #tpu.memory_space<vmem>>
    %dma_wait3A_727 = tpu.memref_slice %arg2[%mul3A_580] : memref<2359296xf32, #tpu.memory_space<hbm>> -> memref<4608xf32, #tpu.memory_space<hbm>>
    %dma_wait3A_728 = arith.constant 50688 : i32
    %dma_wait3A_729 = tpu.memref_slice %arg8[%dma_wait3A_728] : memref<82944xf32, #tpu.memory_space<vmem>> -> memref<4608xf32, #tpu.memory_space<vmem>>
    %dma_wait3A_730 = tpu.memref_slice %arg2[%mul3A_580] : memref<2359296xf32, #tpu.memory_space<hbm>> -> memref<4608xf32, #tpu.memory_space<hbm>>
    tpu.wait_dma2 semaphore(%arg11 : memref<!tpu.dma_semaphore, #tpu.memory_space<semaphore_mem>>) src(%dma_wait3A_730 : memref<4608xf32, #tpu.memory_space<hbm>>) dst(%dma_wait3A_729 : memref<4608xf32, #tpu.memory_space<vmem>>)
    %dma_wait3A_731 = arith.constant 55296 : i32
    %dma_wait3A_732 = tpu.memref_slice %arg8[%dma_wait3A_731] : memref<82944xf32, #tpu.memory_space<vmem>> -> memref<4608xf32, #tpu.memory_space<vmem>>
    %dma_wait3A_733 = tpu.memref_slice %arg2[%mul3A_593] : memref<2359296xf32, #tpu.memory_space<hbm>> -> memref<4608xf32, #tpu.memory_space<hbm>>
    %dma_wait3A_734 = arith.constant 55296 : i32
    %dma_wait3A_735 = tpu.memref_slice %arg8[%dma_wait3A_734] : memref<82944xf32, #tpu.memory_space<vmem>> -> memref<4608xf32, #tpu.memory_space<vmem>>
    %dma_wait3A_736 = tpu.memref_slice %arg2[%mul3A_593] : memref<2359296xf32, #tpu.memory_space<hbm>> -> memref<4608xf32, #tpu.memory_space<hbm>>
    tpu.wait_dma2 semaphore(%arg11 : memref<!tpu.dma_semaphore, #tpu.memory_space<semaphore_mem>>) src(%dma_wait3A_736 : memref<4608xf32, #tpu.memory_space<hbm>>) dst(%dma_wait3A_735 : memref<4608xf32, #tpu.memory_space<vmem>>)
    %dma_wait3A_737 = arith.constant 59904 : i32
    %dma_wait3A_738 = tpu.memref_slice %arg8[%dma_wait3A_737] : memref<82944xf32, #tpu.memory_space<vmem>> -> memref<4608xf32, #tpu.memory_space<vmem>>
    %dma_wait3A_739 = tpu.memref_slice %arg2[%mul3A_606] : memref<2359296xf32, #tpu.memory_space<hbm>> -> memref<4608xf32, #tpu.memory_space<hbm>>
    %dma_wait3A_740 = arith.constant 59904 : i32
    %dma_wait3A_741 = tpu.memref_slice %arg8[%dma_wait3A_740] : memref<82944xf32, #tpu.memory_space<vmem>> -> memref<4608xf32, #tpu.memory_space<vmem>>
    %dma_wait3A_742 = tpu.memref_slice %arg2[%mul3A_606] : memref<2359296xf32, #tpu.memory_space<hbm>> -> memref<4608xf32, #tpu.memory_space<hbm>>
    tpu.wait_dma2 semaphore(%arg11 : memref<!tpu.dma_semaphore, #tpu.memory_space<semaphore_mem>>) src(%dma_wait3A_742 : memref<4608xf32, #tpu.memory_space<hbm>>) dst(%dma_wait3A_741 : memref<4608xf32, #tpu.memory_space<vmem>>)
    %dma_wait3A_743 = arith.constant 64512 : i32
    %dma_wait3A_744 = tpu.memref_slice %arg8[%dma_wait3A_743] : memref<82944xf32, #tpu.memory_space<vmem>> -> memref<4608xf32, #tpu.memory_space<vmem>>
    %dma_wait3A_745 = tpu.memref_slice %arg2[%mul3A_619] : memref<2359296xf32, #tpu.memory_space<hbm>> -> memref<4608xf32, #tpu.memory_space<hbm>>
    %dma_wait3A_746 = arith.constant 64512 : i32
    %dma_wait3A_747 = tpu.memref_slice %arg8[%dma_wait3A_746] : memref<82944xf32, #tpu.memory_space<vmem>> -> memref<4608xf32, #tpu.memory_space<vmem>>
    %dma_wait3A_748 = tpu.memref_slice %arg2[%mul3A_619] : memref<2359296xf32, #tpu.memory_space<hbm>> -> memref<4608xf32, #tpu.memory_space<hbm>>
    tpu.wait_dma2 semaphore(%arg11 : memref<!tpu.dma_semaphore, #tpu.memory_space<semaphore_mem>>) src(%dma_wait3A_748 : memref<4608xf32, #tpu.memory_space<hbm>>) dst(%dma_wait3A_747 : memref<4608xf32, #tpu.memory_space<vmem>>)
    %dma_wait3A_749 = arith.constant 69120 : i32
    %dma_wait3A_750 = tpu.memref_slice %arg8[%dma_wait3A_749] : memref<82944xf32, #tpu.memory_space<vmem>> -> memref<4608xf32, #tpu.memory_space<vmem>>
    %dma_wait3A_751 = tpu.memref_slice %arg2[%mul3A_632] : memref<2359296xf32, #tpu.memory_space<hbm>> -> memref<4608xf32, #tpu.memory_space<hbm>>
    %dma_wait3A_752 = arith.constant 69120 : i32
    %dma_wait3A_753 = tpu.memref_slice %arg8[%dma_wait3A_752] : memref<82944xf32, #tpu.memory_space<vmem>> -> memref<4608xf32, #tpu.memory_space<vmem>>
    %dma_wait3A_754 = tpu.memref_slice %arg2[%mul3A_632] : memref<2359296xf32, #tpu.memory_space<hbm>> -> memref<4608xf32, #tpu.memory_space<hbm>>
    tpu.wait_dma2 semaphore(%arg11 : memref<!tpu.dma_semaphore, #tpu.memory_space<semaphore_mem>>) src(%dma_wait3A_754 : memref<4608xf32, #tpu.memory_space<hbm>>) dst(%dma_wait3A_753 : memref<4608xf32, #tpu.memory_space<vmem>>)
    %dma_wait3A_755 = arith.constant 73728 : i32
    %dma_wait3A_756 = tpu.memref_slice %arg8[%dma_wait3A_755] : memref<82944xf32, #tpu.memory_space<vmem>> -> memref<4608xf32, #tpu.memory_space<vmem>>
    %dma_wait3A_757 = tpu.memref_slice %arg2[%mul3A_645] : memref<2359296xf32, #tpu.memory_space<hbm>> -> memref<4608xf32, #tpu.memory_space<hbm>>
    %dma_wait3A_758 = arith.constant 73728 : i32
    %dma_wait3A_759 = tpu.memref_slice %arg8[%dma_wait3A_758] : memref<82944xf32, #tpu.memory_space<vmem>> -> memref<4608xf32, #tpu.memory_space<vmem>>
    %dma_wait3A_760 = tpu.memref_slice %arg2[%mul3A_645] : memref<2359296xf32, #tpu.memory_space<hbm>> -> memref<4608xf32, #tpu.memory_space<hbm>>
    tpu.wait_dma2 semaphore(%arg11 : memref<!tpu.dma_semaphore, #tpu.memory_space<semaphore_mem>>) src(%dma_wait3A_760 : memref<4608xf32, #tpu.memory_space<hbm>>) dst(%dma_wait3A_759 : memref<4608xf32, #tpu.memory_space<vmem>>)
    %dma_wait3A_761 = arith.constant 78336 : i32
    %dma_wait3A_762 = tpu.memref_slice %arg8[%dma_wait3A_761] : memref<82944xf32, #tpu.memory_space<vmem>> -> memref<4608xf32, #tpu.memory_space<vmem>>
    %dma_wait3A_763 = tpu.memref_slice %arg2[%mul3A_658] : memref<2359296xf32, #tpu.memory_space<hbm>> -> memref<4608xf32, #tpu.memory_space<hbm>>
    %dma_wait3A_764 = arith.constant 78336 : i32
    %dma_wait3A_765 = tpu.memref_slice %arg8[%dma_wait3A_764] : memref<82944xf32, #tpu.memory_space<vmem>> -> memref<4608xf32, #tpu.memory_space<vmem>>
    %dma_wait3A_766 = tpu.memref_slice %arg2[%mul3A_658] : memref<2359296xf32, #tpu.memory_space<hbm>> -> memref<4608xf32, #tpu.memory_space<hbm>>
    tpu.wait_dma2 semaphore(%arg11 : memref<!tpu.dma_semaphore, #tpu.memory_space<semaphore_mem>>) src(%dma_wait3A_766 : memref<4608xf32, #tpu.memory_space<hbm>>) dst(%dma_wait3A_765 : memref<4608xf32, #tpu.memory_space<vmem>>)
    %scan3A_767 = arith.constant 0 : i32
    %scan3A_768 = arith.constant 0 : i32
    %scan3A_769 = arith.constant 100 : i32
    %scan3A_770 = arith.addi %scan3A_768, %scan3A_769 : i32
    %scan3A_771 = arith.constant 1 : i32
    %scan3A_772 = scf.for %scan3A_774 = %scan3A_768 to %scan3A_770 step %scan3A_771 iter_args(%scan3A_775 = %scan3A_767) -> (i32)  : i32 {
      %mul3A_776 = arith.constant 100 : i32
      %mul3A_777 = arith.muli %arg0, %mul3A_776 : i32
      %add3A_778 = arith.addi %mul3A_777, %scan3A_774 : i32
      %mul3A_779 = arith.constant 7 : i32
      %mul3A_780 = arith.muli %add3A_778, %mul3A_779 : i32
      %get3A = arith.index_cast %mul3A_780 : i32 to index
      %get3A_781 = tpu.vector_load %arg7[%get3A] {strides = array<i32>} : memref<1416xf32, #tpu.memory_space<vmem>>, vector<16xf32>,
      %slice3A = vector.extract_strided_slice %get3A_781 {offsets = [0], sizes = [1], strides = [1]} : vector<16xf32> to vector<1xf32>
      %squeeze3A = vector.extract %slice3A[0] : f32 from vector<1xf32>
      %convert_element_type3A = arith.fptosi %squeeze3A : f32 to i32
      %convert_element_type3A_782 = arith.sitofp %convert_element_type3A : i32 to f32
      %gt3A = arith.cmpf ogt, %convert_element_type3A_782, %squeeze3A : f32
      %jit3A_783 = arith.constant 1 : i32
      %jit3A_784 = arith.constant 0 : i32
      %select_n3A_785 = arith.select %gt3A, %jit3A_783, %jit3A_784 : i32
      %sub3A_786 = arith.subi %convert_element_type3A, %select_n3A_785 : i32
      %shift_right_logical3A = arith.constant 4 : i32
      %shift_right_logical3A_787 = arith.shrui %sub3A_786, %shift_right_logical3A : i32
      %eq3A_788 = arith.cmpi eq, %shift_right_logical3A_787, %arg1 : i32
      %convert_element_type3A_789 = arith.extui %eq3A_788 : i1 to i32
      %cond3A = arith.constant 0 : i32
      %cond3A_790 = arith.cmpi ne, %convert_element_type3A_789, %cond3A : i32
      scf.if %cond3A_790 {
        %lt3A_792 = arith.constant 50 : i32
        %lt3A_793 = arith.cmpi slt, %scan3A_774, %lt3A_792 : i32
        %jit3A_794 = arith.constant 0 : i32
        %jit3A_795 = arith.constant 1 : i32
        %select_n3A_796 = arith.select %lt3A_793, %jit3A_794, %jit3A_795 : i32
        %mul3A_797 = arith.constant 2 : i32
        %mul3A_798 = arith.muli %mul3A_797, %arg0 : i32
        %add3A_799 = arith.addi %mul3A_798, %select_n3A_796 : i32
        %mul3A_800 = arith.constant 100 : i32
        %mul3A_801 = arith.muli %arg0, %mul3A_800 : i32
        %add3A_802 = arith.addi %mul3A_801, %scan3A_774 : i32
        %slice3A_803 = vector.extract_strided_slice %get3A_781 {offsets = [1], sizes = [1], strides = [1]} : vector<16xf32> to vector<1xf32>
        %squeeze3A_804 = vector.extract %slice3A_803[0] : f32 from vector<1xf32>
        %slice3A_805 = vector.extract_strided_slice %get3A_781 {offsets = [2], sizes = [1], strides = [1]} : vector<16xf32> to vector<1xf32>
        %squeeze3A_806 = vector.extract %slice3A_805[0] : f32 from vector<1xf32>
        %slice3A_807 = vector.extract_strided_slice %get3A_781 {offsets = [3], sizes = [1], strides = [1]} : vector<16xf32> to vector<1xf32>
        %squeeze3A_808 = vector.extract %slice3A_807[0] : f32 from vector<1xf32>
        %slice3A_809 = vector.extract_strided_slice %get3A_781 {offsets = [4], sizes = [1], strides = [1]} : vector<16xf32> to vector<1xf32>
        %squeeze3A_810 = vector.extract %slice3A_809[0] : f32 from vector<1xf32>
        %slice3A_811 = vector.extract_strided_slice %get3A_781 {offsets = [5], sizes = [1], strides = [1]} : vector<16xf32> to vector<1xf32>
        %squeeze3A_812 = vector.extract %slice3A_811[0] : f32 from vector<1xf32>
        %convert_element_type3A_813 = arith.fptosi %squeeze3A_804 : f32 to i32
        %convert_element_type3A_814 = arith.sitofp %convert_element_type3A_813 : i32 to f32
        %gt3A_815 = arith.cmpf ogt, %convert_element_type3A_814, %squeeze3A_804 : f32
        %jit3A_816 = arith.constant 1 : i32
        %jit3A_817 = arith.constant 0 : i32
        %select_n3A_818 = arith.select %gt3A_815, %jit3A_816, %jit3A_817 : i32
        %sub3A_819 = arith.subi %convert_element_type3A_813, %select_n3A_818 : i32
        %sub3A_820 = arith.subi %sub3A_786, %min3A : i32
        %mul3A_821 = arith.constant 9 : i32
        %mul3A_822 = arith.muli %select_n3A_796, %mul3A_821 : i32
        %add3A_823 = arith.constant 1 : i32
        %add3A_824 = arith.addi %mul3A_822, %add3A_823 : i32
        %mul3A_825 = arith.constant 18 : i32
        %mul3A_826 = arith.muli %add3A_824, %mul3A_825 : i32
        %add3A_827 = arith.addi %mul3A_826, %sub3A_820 : i32
        %add3A_828 = vector.broadcast %add3A_827 : i32 to vector<16xi32>
        %add3A_829 = arith.addi %add3A_828, %sub3A_35 : vector<16xi32>
        %mul3A_830 = arith.constant 256 : i32
        %mul3A_831 = vector.broadcast %mul3A_830 : i32 to vector<16xi32>
        %mul3A_832 = arith.muli %add3A_829, %mul3A_831 : vector<16xi32>
        %add3A_833 = vector.broadcast %sub3A_819 : i32 to vector<16xi32>
        %add3A_834 = arith.addi %add3A_833, %sub3A_38 : vector<16xi32>
        %add3A_835 = arith.addi %mul3A_832, %add3A_834 : vector<16xi32>
        %gather3A = tpu.vector_load_idx %arg8[%add3A_835] : memref<82944xf32, #tpu.memory_space<vmem>>[vector<16xi32>], vector<16xf32>,
        %mul3A_836 = arith.constant 9 : i32
        %mul3A_837 = arith.muli %select_n3A_796, %mul3A_836 : i32
        %add3A_838 = arith.constant 2 : i32
        %add3A_839 = arith.addi %mul3A_837, %add3A_838 : i32
        %mul3A_840 = arith.constant 18 : i32
        %mul3A_841 = arith.muli %add3A_839, %mul3A_840 : i32
        %add3A_842 = arith.addi %mul3A_841, %sub3A_820 : i32
        %add3A_843 = vector.broadcast %add3A_842 : i32 to vector<16xi32>
        %add3A_844 = arith.addi %add3A_843, %sub3A_35 : vector<16xi32>
        %mul3A_845 = arith.constant 256 : i32
        %mul3A_846 = vector.broadcast %mul3A_845 : i32 to vector<16xi32>
        %mul3A_847 = arith.muli %add3A_844, %mul3A_846 : vector<16xi32>
        %add3A_848 = vector.broadcast %sub3A_819 : i32 to vector<16xi32>
        %add3A_849 = arith.addi %add3A_848, %sub3A_38 : vector<16xi32>
        %add3A_850 = arith.addi %mul3A_847, %add3A_849 : vector<16xi32>
        %gather3A_851 = tpu.vector_load_idx %arg8[%add3A_850] : memref<82944xf32, #tpu.memory_space<vmem>>[vector<16xi32>], vector<16xf32>,
        %mul3A_852 = arith.constant 9 : i32
        %mul3A_853 = arith.muli %select_n3A_796, %mul3A_852 : i32
        %add3A_854 = arith.constant 3 : i32
        %add3A_855 = arith.addi %mul3A_853, %add3A_854 : i32
        %mul3A_856 = arith.constant 18 : i32
        %mul3A_857 = arith.muli %add3A_855, %mul3A_856 : i32
        %add3A_858 = arith.addi %mul3A_857, %sub3A_820 : i32
        %add3A_859 = vector.broadcast %add3A_858 : i32 to vector<16xi32>
        %add3A_860 = arith.addi %add3A_859, %sub3A_35 : vector<16xi32>
        %mul3A_861 = arith.constant 256 : i32
        %mul3A_862 = vector.broadcast %mul3A_861 : i32 to vector<16xi32>
        %mul3A_863 = arith.muli %add3A_860, %mul3A_862 : vector<16xi32>
        %add3A_864 = vector.broadcast %sub3A_819 : i32 to vector<16xi32>
        %add3A_865 = arith.addi %add3A_864, %sub3A_38 : vector<16xi32>
        %add3A_866 = arith.addi %mul3A_863, %add3A_865 : vector<16xi32>
        %gather3A_867 = tpu.vector_load_idx %arg8[%add3A_866] : memref<82944xf32, #tpu.memory_space<vmem>>[vector<16xi32>], vector<16xf32>,
        %mul3A_868 = arith.constant 9 : i32
        %mul3A_869 = arith.muli %select_n3A_796, %mul3A_868 : i32
        %add3A_870 = arith.constant 4 : i32
        %add3A_871 = arith.addi %mul3A_869, %add3A_870 : i32
        %mul3A_872 = arith.constant 18 : i32
        %mul3A_873 = arith.muli %add3A_871, %mul3A_872 : i32
        %add3A_874 = arith.addi %mul3A_873, %sub3A_820 : i32
        %add3A_875 = vector.broadcast %add3A_874 : i32 to vector<16xi32>
        %add3A_876 = arith.addi %add3A_875, %sub3A_35 : vector<16xi32>
        %mul3A_877 = arith.constant 256 : i32
        %mul3A_878 = vector.broadcast %mul3A_877 : i32 to vector<16xi32>
        %mul3A_879 = arith.muli %add3A_876, %mul3A_878 : vector<16xi32>
        %add3A_880 = vector.broadcast %sub3A_819 : i32 to vector<16xi32>
        %add3A_881 = arith.addi %add3A_880, %sub3A_38 : vector<16xi32>
        %add3A_882 = arith.addi %mul3A_879, %add3A_881 : vector<16xi32>
        %gather3A_883 = tpu.vector_load_idx %arg8[%add3A_882] : memref<82944xf32, #tpu.memory_space<vmem>>[vector<16xi32>], vector<16xf32>,
        %mul3A_884 = arith.constant 9 : i32
        %mul3A_885 = arith.muli %select_n3A_796, %mul3A_884 : i32
        %add3A_886 = arith.constant 5 : i32
        %add3A_887 = arith.addi %mul3A_885, %add3A_886 : i32
        %mul3A_888 = arith.constant 18 : i32
        %mul3A_889 = arith.muli %add3A_887, %mul3A_888 : i32
        %add3A_890 = arith.addi %mul3A_889, %sub3A_820 : i32
        %add3A_891 = vector.broadcast %add3A_890 : i32 to vector<16xi32>
        %add3A_892 = arith.addi %add3A_891, %sub3A_35 : vector<16xi32>
        %mul3A_893 = arith.constant 256 : i32
        %mul3A_894 = vector.broadcast %mul3A_893 : i32 to vector<16xi32>
        %mul3A_895 = arith.muli %add3A_892, %mul3A_894 : vector<16xi32>
        %add3A_896 = vector.broadcast %sub3A_819 : i32 to vector<16xi32>
        %add3A_897 = arith.addi %add3A_896, %sub3A_38 : vector<16xi32>
        %add3A_898 = arith.addi %mul3A_895, %add3A_897 : vector<16xi32>
        %gather3A_899 = tpu.vector_load_idx %arg8[%add3A_898] : memref<82944xf32, #tpu.memory_space<vmem>>[vector<16xi32>], vector<16xf32>,
        %mul3A_900 = arith.constant 9 : i32
        %mul3A_901 = arith.muli %select_n3A_796, %mul3A_900 : i32
        %add3A_902 = arith.constant 6 : i32
        %add3A_903 = arith.addi %mul3A_901, %add3A_902 : i32
        %mul3A_904 = arith.constant 18 : i32
        %mul3A_905 = arith.muli %add3A_903, %mul3A_904 : i32
        %add3A_906 = arith.addi %mul3A_905, %sub3A_820 : i32
        %add3A_907 = vector.broadcast %add3A_906 : i32 to vector<16xi32>
        %add3A_908 = arith.addi %add3A_907, %sub3A_35 : vector<16xi32>
        %mul3A_909 = arith.constant 256 : i32
        %mul3A_910 = vector.broadcast %mul3A_909 : i32 to vector<16xi32>
        %mul3A_911 = arith.muli %add3A_908, %mul3A_910 : vector<16xi32>
        %add3A_912 = vector.broadcast %sub3A_819 : i32 to vector<16xi32>
        %add3A_913 = arith.addi %add3A_912, %sub3A_38 : vector<16xi32>
        %add3A_914 = arith.addi %mul3A_911, %add3A_913 : vector<16xi32>
        %gather3A_915 = tpu.vector_load_idx %arg8[%add3A_914] : memref<82944xf32, #tpu.memory_space<vmem>>[vector<16xi32>], vector<16xf32>,
        %add3A_916 = vector.broadcast %sub3A_786 : i32 to vector<16xi32>
        %add3A_917 = arith.addi %add3A_916, %sub3A_35 : vector<16xi32>
        %convert_element_type3A_918 = arith.sitofp %add3A_917 : vector<16xi32> to vector<16xf32>
        %add3A_919 = vector.broadcast %sub3A_819 : i32 to vector<16xi32>
        %add3A_920 = arith.addi %add3A_919, %sub3A_38 : vector<16xi32>
        %convert_element_type3A_921 = arith.sitofp %add3A_920 : vector<16xi32> to vector<16xf32>
        %neg3A = arith.constant 0.000000e+00 : f32
        %neg3A_922 = vector.broadcast %neg3A : f32 to vector<16xf32>
        %neg3A_923 = arith.subf %neg3A_922, %gather3A : vector<16xf32>
        %exp3A = math.exp %neg3A_923 : vector<16xf32>
        %add3A_924 = arith.constant 1.000000e+00 : f32
        %add3A_925 = vector.broadcast %add3A_924 : f32 to vector<16xf32>
        %add3A_926 = arith.addf %add3A_925, %exp3A : vector<16xf32>
        %div3A = arith.constant 1.000000e+00 : f32
        %div3A_927 = vector.broadcast %div3A : f32 to vector<16xf32>
        %div3A_928 = arith.divf %div3A_927, %add3A_926 : vector<16xf32>
        %add3A_929 = arith.addf %div3A_928, %convert_element_type3A_918 : vector<16xf32>
        %neg3A_930 = arith.constant 0.000000e+00 : f32
        %neg3A_931 = vector.broadcast %neg3A_930 : f32 to vector<16xf32>
        %neg3A_932 = arith.subf %neg3A_931, %gather3A_851 : vector<16xf32>
        %exp3A_933 = math.exp %neg3A_932 : vector<16xf32>
        %add3A_934 = arith.constant 1.000000e+00 : f32
        %add3A_935 = vector.broadcast %add3A_934 : f32 to vector<16xf32>
        %add3A_936 = arith.addf %add3A_935, %exp3A_933 : vector<16xf32>
        %div3A_937 = arith.constant 1.000000e+00 : f32
        %div3A_938 = vector.broadcast %div3A_937 : f32 to vector<16xf32>
        %div3A_939 = arith.divf %div3A_938, %add3A_936 : vector<16xf32>
        %add3A_940 = arith.addf %div3A_939, %convert_element_type3A_921 : vector<16xf32>
        %neg3A_941 = arith.constant 0.000000e+00 : f32
        %neg3A_942 = vector.broadcast %neg3A_941 : f32 to vector<16xf32>
        %neg3A_943 = arith.subf %neg3A_942, %gather3A_867 : vector<16xf32>
        %exp3A_944 = math.exp %neg3A_943 : vector<16xf32>
        %add3A_945 = arith.constant 1.000000e+00 : f32
        %add3A_946 = vector.broadcast %add3A_945 : f32 to vector<16xf32>
        %add3A_947 = arith.addf %add3A_946, %exp3A_944 : vector<16xf32>
        %div3A_948 = arith.constant 1.000000e+00 : f32
        %div3A_949 = vector.broadcast %div3A_948 : f32 to vector<16xf32>
        %div3A_950 = arith.divf %div3A_949, %add3A_947 : vector<16xf32>
        %mul3A_951 = arith.constant 4.000000e+00 : f32
        %mul3A_952 = vector.broadcast %mul3A_951 : f32 to vector<16xf32>
        %mul3A_953 = arith.mulf %div3A_950, %mul3A_952 : vector<16xf32>
        %exp3A_954 = math.exp %gather3A_883 : vector<16xf32>
        %mul3A_955 = arith.constant 3.900000e+00 : f32
        %mul3A_956 = vector.broadcast %mul3A_955 : f32 to vector<16xf32>
        %mul3A_957 = arith.mulf %exp3A_954, %mul3A_956 : vector<16xf32>
        %exp3A_958 = math.exp %gather3A_899 : vector<16xf32>
        %mul3A_959 = arith.constant 1.600000e+00 : f32
        %mul3A_960 = vector.broadcast %mul3A_959 : f32 to vector<16xf32>
        %mul3A_961 = arith.mulf %exp3A_958, %mul3A_960 : vector<16xf32>
        %exp3A_962 = math.exp %gather3A_915 : vector<16xf32>
        %mul3A_963 = arith.constant 1.560000e+00 : f32
        %mul3A_964 = vector.broadcast %mul3A_963 : f32 to vector<16xf32>
        %mul3A_965 = arith.mulf %exp3A_962, %mul3A_964 : vector<16xf32>
        %mul3A_966 = arith.constant 5.000000e-01 : f32
        %mul3A_967 = vector.broadcast %mul3A_966 : f32 to vector<16xf32>
        %mul3A_968 = arith.mulf %mul3A_957, %mul3A_967 : vector<16xf32>
        %add3A_969 = arith.addf %add3A_929, %mul3A_968 : vector<16xf32>
        %mul3A_970 = arith.constant 5.000000e-01 : f32
        %mul3A_971 = arith.mulf %squeeze3A_808, %mul3A_970 : f32
        %add3A_972 = arith.addf %squeeze3A, %mul3A_971 : f32
        %min3A_973 = vector.broadcast %add3A_972 : f32 to vector<16xf32>
        %min3A_974 = arith.minimumf %add3A_969, %min3A_973 : vector<16xf32>
        %mul3A_975 = arith.constant 5.000000e-01 : f32
        %mul3A_976 = vector.broadcast %mul3A_975 : f32 to vector<16xf32>
        %mul3A_977 = arith.mulf %mul3A_957, %mul3A_976 : vector<16xf32>
        %sub3A_978 = arith.subf %add3A_929, %mul3A_977 : vector<16xf32>
        %mul3A_979 = arith.constant 5.000000e-01 : f32
        %mul3A_980 = arith.mulf %squeeze3A_808, %mul3A_979 : f32
        %sub3A_981 = arith.subf %squeeze3A, %mul3A_980 : f32
        %max3A_982 = vector.broadcast %sub3A_981 : f32 to vector<16xf32>
        %max3A_983 = arith.maximumf %sub3A_978, %max3A_982 : vector<16xf32>
        %sub3A_984 = arith.subf %min3A_974, %max3A_983 : vector<16xf32>
        %max3A_985 = arith.constant 0.000000e+00 : f32
        %max3A_986 = vector.broadcast %max3A_985 : f32 to vector<16xf32>
        %max3A_987 = arith.maximumf %sub3A_984, %max3A_986 : vector<16xf32>
        %mul3A_988 = arith.constant 5.000000e-01 : f32
        %mul3A_989 = vector.broadcast %mul3A_988 : f32 to vector<16xf32>
        %mul3A_990 = arith.mulf %mul3A_961, %mul3A_989 : vector<16xf32>
        %add3A_991 = arith.addf %add3A_940, %mul3A_990 : vector<16xf32>
        %mul3A_992 = arith.constant 5.000000e-01 : f32
        %mul3A_993 = arith.mulf %squeeze3A_810, %mul3A_992 : f32
        %add3A_994 = arith.addf %squeeze3A_804, %mul3A_993 : f32
        %min3A_995 = vector.broadcast %add3A_994 : f32 to vector<16xf32>
        %min3A_996 = arith.minimumf %add3A_991, %min3A_995 : vector<16xf32>
        %mul3A_997 = arith.constant 5.000000e-01 : f32
        %mul3A_998 = vector.broadcast %mul3A_997 : f32 to vector<16xf32>
        %mul3A_999 = arith.mulf %mul3A_961, %mul3A_998 : vector<16xf32>
        %sub3A_1000 = arith.subf %add3A_940, %mul3A_999 : vector<16xf32>
        %mul3A_1001 = arith.constant 5.000000e-01 : f32
        %mul3A_1002 = arith.mulf %squeeze3A_810, %mul3A_1001 : f32
        %sub3A_1003 = arith.subf %squeeze3A_804, %mul3A_1002 : f32
        %max3A_1004 = vector.broadcast %sub3A_1003 : f32 to vector<16xf32>
        %max3A_1005 = arith.maximumf %sub3A_1000, %max3A_1004 : vector<16xf32>
        %sub3A_1006 = arith.subf %min3A_996, %max3A_1005 : vector<16xf32>
        %max3A_1007 = arith.constant 0.000000e+00 : f32
        %max3A_1008 = vector.broadcast %max3A_1007 : f32 to vector<16xf32>
        %max3A_1009 = arith.maximumf %sub3A_1006, %max3A_1008 : vector<16xf32>
        %mul3A_1010 = arith.constant 5.000000e-01 : f32
        %mul3A_1011 = vector.broadcast %mul3A_1010 : f32 to vector<16xf32>
        %mul3A_1012 = arith.mulf %mul3A_965, %mul3A_1011 : vector<16xf32>
        %add3A_1013 = arith.addf %mul3A_953, %mul3A_1012 : vector<16xf32>
        %mul3A_1014 = arith.constant 5.000000e-01 : f32
        %mul3A_1015 = arith.mulf %squeeze3A_812, %mul3A_1014 : f32
        %add3A_1016 = arith.addf %squeeze3A_806, %mul3A_1015 : f32
        %min3A_1017 = vector.broadcast %add3A_1016 : f32 to vector<16xf32>
        %min3A_1018 = arith.minimumf %add3A_1013, %min3A_1017 : vector<16xf32>
        %mul3A_1019 = arith.constant 5.000000e-01 : f32
        %mul3A_1020 = vector.broadcast %mul3A_1019 : f32 to vector<16xf32>
        %mul3A_1021 = arith.mulf %mul3A_965, %mul3A_1020 : vector<16xf32>
        %sub3A_1022 = arith.subf %mul3A_953, %mul3A_1021 : vector<16xf32>
        %mul3A_1023 = arith.constant 5.000000e-01 : f32
        %mul3A_1024 = arith.mulf %squeeze3A_812, %mul3A_1023 : f32
        %sub3A_1025 = arith.subf %squeeze3A_806, %mul3A_1024 : f32
        %max3A_1026 = vector.broadcast %sub3A_1025 : f32 to vector<16xf32>
        %max3A_1027 = arith.maximumf %sub3A_1022, %max3A_1026 : vector<16xf32>
        %sub3A_1028 = arith.subf %min3A_1018, %max3A_1027 : vector<16xf32>
        %max3A_1029 = arith.constant 0.000000e+00 : f32
        %max3A_1030 = vector.broadcast %max3A_1029 : f32 to vector<16xf32>
        %max3A_1031 = arith.maximumf %sub3A_1028, %max3A_1030 : vector<16xf32>
        %mul3A_1032 = arith.mulf %max3A_987, %max3A_1009 : vector<16xf32>
        %mul3A_1033 = arith.mulf %mul3A_1032, %max3A_1031 : vector<16xf32>
        %mul3A_1034 = arith.mulf %mul3A_957, %mul3A_961 : vector<16xf32>
        %mul3A_1035 = arith.mulf %mul3A_1034, %mul3A_965 : vector<16xf32>
        %mul3A_1036 = arith.mulf %squeeze3A_808, %squeeze3A_810 : f32
        %mul3A_1037 = arith.mulf %mul3A_1036, %squeeze3A_812 : f32
        %add3A_1038 = vector.broadcast %mul3A_1037 : f32 to vector<16xf32>
        %add3A_1039 = arith.addf %mul3A_1035, %add3A_1038 : vector<16xf32>
        %sub3A_1040 = arith.subf %add3A_1039, %mul3A_1033 : vector<16xf32>
        %add3A_1041 = arith.constant 9.99999993E-9 : f32
        %add3A_1042 = vector.broadcast %add3A_1041 : f32 to vector<16xf32>
        %add3A_1043 = arith.addf %sub3A_1040, %add3A_1042 : vector<16xf32>
        %div3A_1044 = arith.divf %mul3A_1033, %add3A_1043 : vector<16xf32>
        %gt3A_1045 = arith.constant 1.000000e-01 : f32
        %gt3A_1046 = vector.broadcast %gt3A_1045 : f32 to vector<16xf32>
        %gt3A_1047 = arith.cmpf ogt, %div3A_1044, %gt3A_1046 : vector<16xf32>
        %lt3A_1048 = arith.constant 8 : i32
        %lt3A_1049 = vector.broadcast %lt3A_1048 : i32 to vector<16xi32>
        %lt3A_1050 = arith.cmpi slt, %iota3A, %lt3A_1049 : vector<16xi32>
        %and3A = arith.andi %gt3A_1047, %lt3A_1050 : vector<16xi1>
        %mul3A_1051 = arith.constant 65536 : i32
        %mul3A_1052 = arith.muli %add3A_799, %mul3A_1051 : i32
        %add3A_1053 = vector.broadcast %sub3A_786 : i32 to vector<16xi32>
        %add3A_1054 = arith.addi %add3A_1053, %sub3A_35 : vector<16xi32>
        %mul3A_1055 = arith.constant 256 : i32
        %mul3A_1056 = vector.broadcast %mul3A_1055 : i32 to vector<16xi32>
        %mul3A_1057 = arith.muli %add3A_1054, %mul3A_1056 : vector<16xi32>
        %add3A_1058 = vector.broadcast %mul3A_1052 : i32 to vector<16xi32>
        %add3A_1059 = arith.addi %add3A_1058, %mul3A_1057 : vector<16xi32>
        %add3A_1060 = vector.broadcast %sub3A_819 : i32 to vector<16xi32>
        %add3A_1061 = arith.addi %add3A_1060, %sub3A_38 : vector<16xi32>
        %add3A_1062 = arith.addi %add3A_1059, %add3A_1061 : vector<16xi32>
        %mul3A_1063 = arith.constant 65536 : i32
        %mul3A_1064 = arith.muli %add3A_799, %mul3A_1063 : i32
        %mul3A_1065 = arith.constant 256 : i32
        %mul3A_1066 = arith.muli %sub3A_786, %mul3A_1065 : i32
        %add3A_1067 = arith.addi %mul3A_1064, %mul3A_1066 : i32
        %add3A_1068 = arith.addi %add3A_1067, %sub3A_819 : i32
        %broadcast_in_dim3A_1069 = vector.broadcast %add3A_1068 : i32 to vector<16xi32>
        %select_n3A_1070 = arith.select %and3A, %add3A_1062, %broadcast_in_dim3A_1069 : vector<16xi1>, vector<16xi32>
        %dma_start3A_1071 = arith.constant 0 : i32
        %dma_start3A_1072 = tpu.memref_slice %arg4[%dma_start3A_1071] : memref<327680xf32, #tpu.memory_space<hbm>> -> memref<327680xf32, #tpu.memory_space<hbm>>
        tpu.enqueue_indirect_dma source(%arg9 : memref<16xf32, #tpu.memory_space<vmem>>) target(%dma_start3A_1072 : memref<327680xf32, #tpu.memory_space<hbm>>) offsets(%select_n3A_1070 : vector<16xi32>) semaphore(%arg12 : memref<!tpu.dma_semaphore, #tpu.memory_space<semaphore_mem>>)
        %mul3A_1073 = arith.constant 9 : i32
        %mul3A_1074 = arith.muli %select_n3A_796, %mul3A_1073 : i32
        %add3A_1075 = vector.broadcast %mul3A_1074 : i32 to vector<16xi32>
        %add3A_1076 = arith.addi %add3A_1075, %select_n3A_55 : vector<16xi32>
        %mul3A_1077 = arith.constant 18 : i32
        %mul3A_1078 = vector.broadcast %mul3A_1077 : i32 to vector<16xi32>
        %mul3A_1079 = arith.muli %add3A_1076, %mul3A_1078 : vector<16xi32>
        %add3A_1080 = vector.broadcast %sub3A_820 : i32 to vector<16xi32>
        %add3A_1081 = arith.addi %mul3A_1079, %add3A_1080 : vector<16xi32>
        %mul3A_1082 = arith.constant 256 : i32
        %mul3A_1083 = vector.broadcast %mul3A_1082 : i32 to vector<16xi32>
        %mul3A_1084 = arith.muli %add3A_1081, %mul3A_1083 : vector<16xi32>
        %add3A_1085 = vector.broadcast %sub3A_819 : i32 to vector<16xi32>
        %add3A_1086 = arith.addi %mul3A_1084, %add3A_1085 : vector<16xi32>
        %gather3A_1087 = tpu.vector_load_idx %arg8[%add3A_1086] : memref<82944xf32, #tpu.memory_space<vmem>>[vector<16xi32>], vector<16xf32>,
        %swap3A_1088 = arith.constant 0 : index
        %swap3A_1089 = tpu.vector_load %arg10[%swap3A_1088] {strides = array<i32>} : memref<16xf32, #tpu.memory_space<vmem>>, vector<16xf32>,
        tpu.vector_store %arg10[%swap3A_1088], %gather3A_1087 {strides = array<i32>} : memref<16xf32, #tpu.memory_space<vmem>>, vector<16xf32>,
        %mul3A_1090 = arith.constant 16 : i32
        %mul3A_1091 = arith.muli %add3A_802, %mul3A_1090 : i32
        %dma_start3A_1092 = tpu.memref_slice %arg5[%mul3A_1091] : memref<3200xf32, #tpu.memory_space<hbm>> -> memref<16xf32, #tpu.memory_space<hbm>>
        %dma_start3A_1093 = tpu.memref_slice %arg5[%mul3A_1091] : memref<3200xf32, #tpu.memory_space<hbm>> -> memref<16xf32, #tpu.memory_space<hbm>>
        tpu.enqueue_dma source(%arg10 : memref<16xf32, #tpu.memory_space<vmem>>) target(%dma_start3A_1093 : memref<16xf32, #tpu.memory_space<hbm>>) target_semaphore(%arg12 : memref<!tpu.dma_semaphore, #tpu.memory_space<semaphore_mem>>)
        %dma_wait3A_1094 = arith.constant 0 : i32
        %dma_wait3A_1095 = tpu.memref_slice %arg4[%dma_wait3A_1094] : memref<327680xf32, #tpu.memory_space<hbm>> -> memref<327680xf32, #tpu.memory_space<hbm>>
        tpu.wait_indirect_dma semaphore(%arg12 : memref<!tpu.dma_semaphore, #tpu.memory_space<semaphore_mem>>) src(%arg9 : memref<16xf32, #tpu.memory_space<vmem>>) dst(%dma_wait3A_1095 : memref<327680xf32, #tpu.memory_space<hbm>>)
        %dma_wait3A_1096 = tpu.memref_slice %arg5[%mul3A_1091] : memref<3200xf32, #tpu.memory_space<hbm>> -> memref<16xf32, #tpu.memory_space<hbm>>
        %dma_wait3A_1097 = tpu.memref_slice %arg5[%mul3A_1091] : memref<3200xf32, #tpu.memory_space<hbm>> -> memref<16xf32, #tpu.memory_space<hbm>>
        tpu.wait_dma2 semaphore(%arg12 : memref<!tpu.dma_semaphore, #tpu.memory_space<semaphore_mem>>) src(%arg10 : memref<16xf32, #tpu.memory_space<vmem>>) dst(%dma_wait3A_1097 : memref<16xf32, #tpu.memory_space<hbm>>)
      } else {
      }
      %scan3A_791 = arith.constant 0 : i32
      scf.yield %scan3A_791 : i32
    }
    %scan3A_773 = arith.constant 100 : i32
    return
  }
}

module attributes {stable_mosaic.version = 14 : i64} {
  func.func @_tc_body(%arg0: i32, %arg1: memref<1x256x256xf32, #tpu.memory_space<vmem>>, %arg2: memref<1x256x256xf32, #tpu.memory_space<vmem>>, %arg3: memref<1x50x16xf32, #tpu.memory_space<vmem>>, %arg4: memref<1x50x7xf32, #tpu.memory_space<vmem>>, %arg5: memref<1x1xf32, #tpu.memory_space<smem>>) attributes {dimension_semantics = [#tpu.dimension_semantics<arbitrary>], iteration_bounds = array<i64: 4>, scalar_prefetch = 0 : i64, scratch_operands = 0 : i64, tpu.core_type = #tpu.core_type<tc>, window_params = [{transform_indices = @transform_0, window_bounds = array<i64: 1, 256, 256>}, {transform_indices = @transform_1, window_bounds = array<i64: 1, 256, 256>}, {transform_indices = @transform_2, window_bounds = array<i64: 1, 50, 16>}, {transform_indices = @transform_3, window_bounds = array<i64: 1, 50, 7>}, {transform_indices = @transform_4, window_bounds = array<i64: 1, 1>}]} {
    %eq3A = arith.constant 0 : i32
    %eq3A_0 = arith.cmpi eq, %arg0, %eq3A : i32
    %convert_element_type3A = arith.extui %eq3A_0 : i1 to i32
    %cond3A = arith.constant 0 : i32
    %cond3A_1 = arith.cmpi ne, %convert_element_type3A, %cond3A : i32
    scf.if %cond3A_1 {
      %swap3A_243 = arith.constant 0.000000e+00 : f32
      %swap3A_244 = arith.constant 0 : index
      %swap3A_245 = arith.constant 0 : index
      %swap3A_246 = memref.load %arg5[%swap3A_244, %swap3A_245] : memref<1x1xf32, #tpu.memory_space<smem>>
      memref.store %swap3A_243, %arg5[%swap3A_244, %swap3A_245] : memref<1x1xf32, #tpu.memory_space<smem>>
    } else {
    }
    %get3A = arith.constant 0 : index
    %get3A_2 = arith.constant 0 : index
    %get3A_3 = arith.constant 0 : index
    %get3A_4 = vector.load %arg1[%get3A, %get3A_2, %get3A_3] : memref<1x256x256xf32, #tpu.memory_space<vmem>>, vector<1x256x256xf32>
    %get3A_5 = vector.shape_cast %get3A_4 : vector<1x256x256xf32> to vector<256x256xf32>
    %get3A_6 = arith.constant 0 : index
    %get3A_7 = arith.constant 0 : index
    %get3A_8 = arith.constant 0 : index
    %get3A_9 = vector.load %arg2[%get3A_6, %get3A_7, %get3A_8] : memref<1x256x256xf32, #tpu.memory_space<vmem>>, vector<1x256x256xf32>
    %get3A_10 = vector.shape_cast %get3A_9 : vector<1x256x256xf32> to vector<256x256xf32>
    %neg3A = arith.constant 0.000000e+00 : f32
    %neg3A_11 = vector.broadcast %neg3A : f32 to vector<256x256xf32>
    %neg3A_12 = arith.subf %neg3A_11, %get3A_5 : vector<256x256xf32>
    %exp3A = math.exp %neg3A_12 : vector<256x256xf32>
    %add3A = arith.constant 1.000000e+00 : f32
    %add3A_13 = vector.broadcast %add3A : f32 to vector<256x256xf32>
    %add3A_14 = arith.addf %add3A_13, %exp3A : vector<256x256xf32>
    %div3A = arith.constant 1.000000e+00 : f32
    %div3A_15 = vector.broadcast %div3A : f32 to vector<256x256xf32>
    %div3A_16 = arith.divf %div3A_15, %add3A_14 : vector<256x256xf32>
    %sub3A = arith.constant 1.000000e+00 : f32
    %sub3A_17 = vector.broadcast %sub3A : f32 to vector<256x256xf32>
    %sub3A_18 = arith.subf %sub3A_17, %div3A_16 : vector<256x256xf32>
    %log3A = math.log %sub3A_18 : vector<256x256xf32>
    %neg3A_19 = arith.constant 0.000000e+00 : f32
    %neg3A_20 = vector.broadcast %neg3A_19 : f32 to vector<256x256xf32>
    %neg3A_21 = arith.subf %neg3A_20, %log3A : vector<256x256xf32>
    %mul3A = arith.mulf %get3A_10, %neg3A_21 : vector<256x256xf32>
    %reduce_sum3A = vector.shape_cast %mul3A : vector<256x256xf32> to vector<1x256x256xf32>
    %reduce_sum3A_22 = arith.constant dense<0.000000e+00> : vector<1xf32>
    %reduce_sum3A_23 = vector.multi_reduction <add>, %reduce_sum3A, %reduce_sum3A_22 [1, 2] : vector<1x256x256xf32> to vector<1xf32>
    %reduce_sum3A_24 = vector.shape_cast %reduce_sum3A_23 : vector<1xf32> to vector<1x1x1xf32>
    %reduce_sum3A_25 = vector.extract %reduce_sum3A_24[0, 0, 0] : f32 from vector<1x1x1xf32>
    %reduce_sum3A_26 = vector.shape_cast %get3A_10 : vector<256x256xf32> to vector<1x256x256xf32>
    %reduce_sum3A_27 = arith.constant dense<0.000000e+00> : vector<1xf32>
    %reduce_sum3A_28 = vector.multi_reduction <add>, %reduce_sum3A_26, %reduce_sum3A_27 [1, 2] : vector<1x256x256xf32> to vector<1xf32>
    %reduce_sum3A_29 = vector.shape_cast %reduce_sum3A_28 : vector<1xf32> to vector<1x1x1xf32>
    %reduce_sum3A_30 = vector.extract %reduce_sum3A_29[0, 0, 0] : f32 from vector<1x1x1xf32>
    %div3A_31 = arith.divf %reduce_sum3A_25, %reduce_sum3A_30 : f32
    %get3A_32 = arith.constant 0 : index
    %get3A_33 = arith.constant 0 : index
    %get3A_34 = arith.constant 0 : index
    %get3A_35 = vector.load %arg3[%get3A_32, %get3A_33, %get3A_34] : memref<1x50x16xf32, #tpu.memory_space<vmem>>, vector<1x50x16xf32>
    %get3A_36 = vector.shape_cast %get3A_35 : vector<1x50x16xf32> to vector<50x16xf32>
    %get3A_37 = arith.constant 0 : index
    %get3A_38 = arith.constant 0 : index
    %get3A_39 = arith.constant 0 : index
    %get3A_40 = vector.load %arg4[%get3A_37, %get3A_38, %get3A_39] : memref<1x50x7xf32, #tpu.memory_space<vmem>>, vector<1x50x7xf32>
    %get3A_41 = vector.shape_cast %get3A_40 : vector<1x50x7xf32> to vector<50x7xf32>
    %slice3A = vector.extract_strided_slice %get3A_36 {offsets = [0, 0], sizes = [50, 1], strides = [1, 1]} : vector<50x16xf32> to vector<50x1xf32>
    %slice3A_42 = vector.extract_strided_slice %get3A_36 {offsets = [0, 1], sizes = [50, 1], strides = [1, 1]} : vector<50x16xf32> to vector<50x1xf32>
    %slice3A_43 = vector.extract_strided_slice %get3A_36 {offsets = [0, 2], sizes = [50, 1], strides = [1, 1]} : vector<50x16xf32> to vector<50x1xf32>
    %slice3A_44 = vector.extract_strided_slice %get3A_36 {offsets = [0, 3], sizes = [50, 1], strides = [1, 1]} : vector<50x16xf32> to vector<50x1xf32>
    %slice3A_45 = vector.extract_strided_slice %get3A_36 {offsets = [0, 4], sizes = [50, 1], strides = [1, 1]} : vector<50x16xf32> to vector<50x1xf32>
    %slice3A_46 = vector.extract_strided_slice %get3A_36 {offsets = [0, 5], sizes = [50, 1], strides = [1, 1]} : vector<50x16xf32> to vector<50x1xf32>
    %neg3A_47 = arith.constant 0.000000e+00 : f32
    %neg3A_48 = vector.broadcast %neg3A_47 : f32 to vector<50x1xf32>
    %neg3A_49 = arith.subf %neg3A_48, %slice3A : vector<50x1xf32>
    %exp3A_50 = math.exp %neg3A_49 : vector<50x1xf32>
    %add3A_51 = arith.constant 1.000000e+00 : f32
    %add3A_52 = vector.broadcast %add3A_51 : f32 to vector<50x1xf32>
    %add3A_53 = arith.addf %add3A_52, %exp3A_50 : vector<50x1xf32>
    %div3A_54 = arith.constant 1.000000e+00 : f32
    %div3A_55 = vector.broadcast %div3A_54 : f32 to vector<50x1xf32>
    %div3A_56 = arith.divf %div3A_55, %add3A_53 : vector<50x1xf32>
    %neg3A_57 = arith.constant 0.000000e+00 : f32
    %neg3A_58 = vector.broadcast %neg3A_57 : f32 to vector<50x1xf32>
    %neg3A_59 = arith.subf %neg3A_58, %slice3A_42 : vector<50x1xf32>
    %exp3A_60 = math.exp %neg3A_59 : vector<50x1xf32>
    %add3A_61 = arith.constant 1.000000e+00 : f32
    %add3A_62 = vector.broadcast %add3A_61 : f32 to vector<50x1xf32>
    %add3A_63 = arith.addf %add3A_62, %exp3A_60 : vector<50x1xf32>
    %div3A_64 = arith.constant 1.000000e+00 : f32
    %div3A_65 = vector.broadcast %div3A_64 : f32 to vector<50x1xf32>
    %div3A_66 = arith.divf %div3A_65, %add3A_63 : vector<50x1xf32>
    %neg3A_67 = arith.constant 0.000000e+00 : f32
    %neg3A_68 = vector.broadcast %neg3A_67 : f32 to vector<50x1xf32>
    %neg3A_69 = arith.subf %neg3A_68, %slice3A_43 : vector<50x1xf32>
    %exp3A_70 = math.exp %neg3A_69 : vector<50x1xf32>
    %add3A_71 = arith.constant 1.000000e+00 : f32
    %add3A_72 = vector.broadcast %add3A_71 : f32 to vector<50x1xf32>
    %add3A_73 = arith.addf %add3A_72, %exp3A_70 : vector<50x1xf32>
    %div3A_74 = arith.constant 1.000000e+00 : f32
    %div3A_75 = vector.broadcast %div3A_74 : f32 to vector<50x1xf32>
    %div3A_76 = arith.divf %div3A_75, %add3A_73 : vector<50x1xf32>
    %neg3A_77 = arith.constant 0.000000e+00 : f32
    %neg3A_78 = vector.broadcast %neg3A_77 : f32 to vector<50x1xf32>
    %neg3A_79 = arith.subf %neg3A_78, %slice3A_44 : vector<50x1xf32>
    %exp3A_80 = math.exp %neg3A_79 : vector<50x1xf32>
    %add3A_81 = arith.constant 1.000000e+00 : f32
    %add3A_82 = vector.broadcast %add3A_81 : f32 to vector<50x1xf32>
    %add3A_83 = arith.addf %add3A_82, %exp3A_80 : vector<50x1xf32>
    %div3A_84 = arith.constant 1.000000e+00 : f32
    %div3A_85 = vector.broadcast %div3A_84 : f32 to vector<50x1xf32>
    %div3A_86 = arith.divf %div3A_85, %add3A_83 : vector<50x1xf32>
    %tanh3A = math.tanh %slice3A_45 : vector<50x1xf32>
    %tanh3A_87 = math.tanh %slice3A_46 : vector<50x1xf32>
    %slice3A_88 = vector.extract_strided_slice %get3A_41 {offsets = [0, 0], sizes = [50, 1], strides = [1, 1]} : vector<50x7xf32> to vector<50x1xf32>
    %slice3A_89 = vector.extract_strided_slice %get3A_41 {offsets = [0, 1], sizes = [50, 1], strides = [1, 1]} : vector<50x7xf32> to vector<50x1xf32>
    %floor3A = math.floor %slice3A_88 : vector<50x1xf32>
    %sub3A_90 = arith.subf %slice3A_88, %floor3A : vector<50x1xf32>
    %floor3A_91 = math.floor %slice3A_89 : vector<50x1xf32>
    %sub3A_92 = arith.subf %slice3A_89, %floor3A_91 : vector<50x1xf32>
    %slice3A_93 = vector.extract_strided_slice %get3A_41 {offsets = [0, 2], sizes = [50, 1], strides = [1, 1]} : vector<50x7xf32> to vector<50x1xf32>
    %div3A_94 = arith.constant 4.000000e+00 : f32
    %div3A_95 = vector.broadcast %div3A_94 : f32 to vector<50x1xf32>
    %div3A_96 = arith.divf %slice3A_93, %div3A_95 : vector<50x1xf32>
    %slice3A_97 = vector.extract_strided_slice %get3A_41 {offsets = [0, 6], sizes = [50, 1], strides = [1, 1]} : vector<50x7xf32> to vector<50x1xf32>
    %sub3A_98 = arith.constant 6.28318548 : f32
    %sub3A_99 = vector.broadcast %sub3A_98 : f32 to vector<50x1xf32>
    %sub3A_100 = arith.subf %sub3A_99, %slice3A_97 : vector<50x1xf32>
    %sin3A = math.sin %sub3A_100 : vector<50x1xf32>
    %cos3A = math.cos %sub3A_100 : vector<50x1xf32>
    %log3A_101 = math.log %div3A_56 : vector<50x1xf32>
    %neg3A_102 = arith.constant 0.000000e+00 : f32
    %neg3A_103 = vector.broadcast %neg3A_102 : f32 to vector<50x1xf32>
    %neg3A_104 = arith.subf %neg3A_103, %log3A_101 : vector<50x1xf32>
    %reduce_sum3A_105 = vector.shape_cast %neg3A_104 : vector<50x1xf32> to vector<1x50x1xf32>
    %reduce_sum3A_106 = arith.constant dense<0.000000e+00> : vector<1xf32>
    %reduce_sum3A_107 = vector.multi_reduction <add>, %reduce_sum3A_105, %reduce_sum3A_106 [1, 2] : vector<1x50x1xf32> to vector<1xf32>
    %reduce_sum3A_108 = vector.shape_cast %reduce_sum3A_107 : vector<1xf32> to vector<1x1x1xf32>
    %reduce_sum3A_109 = vector.extract %reduce_sum3A_108[0, 0, 0] : f32 from vector<1x1x1xf32>
    %div3A_110 = arith.constant 5.000000e+01 : f32
    %div3A_111 = arith.divf %reduce_sum3A_109, %div3A_110 : f32
    %log3A_112 = math.log %div3A_66 : vector<50x1xf32>
    %mul3A_113 = arith.mulf %sub3A_90, %log3A_112 : vector<50x1xf32>
    %sub3A_114 = arith.constant 1.000000e+00 : f32
    %sub3A_115 = vector.broadcast %sub3A_114 : f32 to vector<50x1xf32>
    %sub3A_116 = arith.subf %sub3A_115, %sub3A_90 : vector<50x1xf32>
    %sub3A_117 = arith.constant 1.000000e+00 : f32
    %sub3A_118 = vector.broadcast %sub3A_117 : f32 to vector<50x1xf32>
    %sub3A_119 = arith.subf %sub3A_118, %div3A_66 : vector<50x1xf32>
    %log3A_120 = math.log %sub3A_119 : vector<50x1xf32>
    %mul3A_121 = arith.mulf %sub3A_116, %log3A_120 : vector<50x1xf32>
    %add3A_122 = arith.addf %mul3A_113, %mul3A_121 : vector<50x1xf32>
    %neg3A_123 = arith.constant 0.000000e+00 : f32
    %neg3A_124 = vector.broadcast %neg3A_123 : f32 to vector<50x1xf32>
    %neg3A_125 = arith.subf %neg3A_124, %add3A_122 : vector<50x1xf32>
    %reduce_sum3A_126 = vector.shape_cast %neg3A_125 : vector<50x1xf32> to vector<1x50x1xf32>
    %reduce_sum3A_127 = arith.constant dense<0.000000e+00> : vector<1xf32>
    %reduce_sum3A_128 = vector.multi_reduction <add>, %reduce_sum3A_126, %reduce_sum3A_127 [1, 2] : vector<1x50x1xf32> to vector<1xf32>
    %reduce_sum3A_129 = vector.shape_cast %reduce_sum3A_128 : vector<1xf32> to vector<1x1x1xf32>
    %reduce_sum3A_130 = vector.extract %reduce_sum3A_129[0, 0, 0] : f32 from vector<1x1x1xf32>
    %log3A_131 = math.log %div3A_76 : vector<50x1xf32>
    %mul3A_132 = arith.mulf %sub3A_92, %log3A_131 : vector<50x1xf32>
    %sub3A_133 = arith.constant 1.000000e+00 : f32
    %sub3A_134 = vector.broadcast %sub3A_133 : f32 to vector<50x1xf32>
    %sub3A_135 = arith.subf %sub3A_134, %sub3A_92 : vector<50x1xf32>
    %sub3A_136 = arith.constant 1.000000e+00 : f32
    %sub3A_137 = vector.broadcast %sub3A_136 : f32 to vector<50x1xf32>
    %sub3A_138 = arith.subf %sub3A_137, %div3A_76 : vector<50x1xf32>
    %log3A_139 = math.log %sub3A_138 : vector<50x1xf32>
    %mul3A_140 = arith.mulf %sub3A_135, %log3A_139 : vector<50x1xf32>
    %add3A_141 = arith.addf %mul3A_132, %mul3A_140 : vector<50x1xf32>
    %neg3A_142 = arith.constant 0.000000e+00 : f32
    %neg3A_143 = vector.broadcast %neg3A_142 : f32 to vector<50x1xf32>
    %neg3A_144 = arith.subf %neg3A_143, %add3A_141 : vector<50x1xf32>
    %reduce_sum3A_145 = vector.shape_cast %neg3A_144 : vector<50x1xf32> to vector<1x50x1xf32>
    %reduce_sum3A_146 = arith.constant dense<0.000000e+00> : vector<1xf32>
    %reduce_sum3A_147 = vector.multi_reduction <add>, %reduce_sum3A_145, %reduce_sum3A_146 [1, 2] : vector<1x50x1xf32> to vector<1xf32>
    %reduce_sum3A_148 = vector.shape_cast %reduce_sum3A_147 : vector<1xf32> to vector<1x1x1xf32>
    %reduce_sum3A_149 = vector.extract %reduce_sum3A_148[0, 0, 0] : f32 from vector<1x1x1xf32>
    %add3A_150 = arith.addf %reduce_sum3A_130, %reduce_sum3A_149 : f32
    %log3A_151 = math.log %div3A_86 : vector<50x1xf32>
    %mul3A_152 = arith.mulf %div3A_96, %log3A_151 : vector<50x1xf32>
    %sub3A_153 = arith.constant 1.000000e+00 : f32
    %sub3A_154 = vector.broadcast %sub3A_153 : f32 to vector<50x1xf32>
    %sub3A_155 = arith.subf %sub3A_154, %div3A_96 : vector<50x1xf32>
    %sub3A_156 = arith.constant 1.000000e+00 : f32
    %sub3A_157 = vector.broadcast %sub3A_156 : f32 to vector<50x1xf32>
    %sub3A_158 = arith.subf %sub3A_157, %div3A_86 : vector<50x1xf32>
    %log3A_159 = math.log %sub3A_158 : vector<50x1xf32>
    %mul3A_160 = arith.mulf %sub3A_155, %log3A_159 : vector<50x1xf32>
    %add3A_161 = arith.addf %mul3A_152, %mul3A_160 : vector<50x1xf32>
    %neg3A_162 = arith.constant 0.000000e+00 : f32
    %neg3A_163 = vector.broadcast %neg3A_162 : f32 to vector<50x1xf32>
    %neg3A_164 = arith.subf %neg3A_163, %add3A_161 : vector<50x1xf32>
    %reduce_sum3A_165 = vector.shape_cast %neg3A_164 : vector<50x1xf32> to vector<1x50x1xf32>
    %reduce_sum3A_166 = arith.constant dense<0.000000e+00> : vector<1xf32>
    %reduce_sum3A_167 = vector.multi_reduction <add>, %reduce_sum3A_165, %reduce_sum3A_166 [1, 2] : vector<1x50x1xf32> to vector<1xf32>
    %reduce_sum3A_168 = vector.shape_cast %reduce_sum3A_167 : vector<1xf32> to vector<1x1x1xf32>
    %reduce_sum3A_169 = vector.extract %reduce_sum3A_168[0, 0, 0] : f32 from vector<1x1x1xf32>
    %add3A_170 = arith.addf %add3A_150, %reduce_sum3A_169 : f32
    %div3A_171 = arith.constant 1.500000e+02 : f32
    %div3A_172 = arith.divf %add3A_170, %div3A_171 : f32
    %sub3A_173 = arith.subf %div3A_66, %sub3A_90 : vector<50x1xf32>
    %integer_pow3A = arith.mulf %sub3A_173, %sub3A_173 : vector<50x1xf32>
    %reduce_sum3A_174 = vector.shape_cast %integer_pow3A : vector<50x1xf32> to vector<1x50x1xf32>
    %reduce_sum3A_175 = arith.constant dense<0.000000e+00> : vector<1xf32>
    %reduce_sum3A_176 = vector.multi_reduction <add>, %reduce_sum3A_174, %reduce_sum3A_175 [1, 2] : vector<1x50x1xf32> to vector<1xf32>
    %reduce_sum3A_177 = vector.shape_cast %reduce_sum3A_176 : vector<1xf32> to vector<1x1x1xf32>
    %reduce_sum3A_178 = vector.extract %reduce_sum3A_177[0, 0, 0] : f32 from vector<1x1x1xf32>
    %sub3A_179 = arith.subf %div3A_76, %sub3A_92 : vector<50x1xf32>
    %integer_pow3A_180 = arith.mulf %sub3A_179, %sub3A_179 : vector<50x1xf32>
    %reduce_sum3A_181 = vector.shape_cast %integer_pow3A_180 : vector<50x1xf32> to vector<1x50x1xf32>
    %reduce_sum3A_182 = arith.constant dense<0.000000e+00> : vector<1xf32>
    %reduce_sum3A_183 = vector.multi_reduction <add>, %reduce_sum3A_181, %reduce_sum3A_182 [1, 2] : vector<1x50x1xf32> to vector<1xf32>
    %reduce_sum3A_184 = vector.shape_cast %reduce_sum3A_183 : vector<1xf32> to vector<1x1x1xf32>
    %reduce_sum3A_185 = vector.extract %reduce_sum3A_184[0, 0, 0] : f32 from vector<1x1x1xf32>
    %add3A_186 = arith.addf %reduce_sum3A_178, %reduce_sum3A_185 : f32
    %sub3A_187 = arith.subf %div3A_86, %div3A_96 : vector<50x1xf32>
    %integer_pow3A_188 = arith.mulf %sub3A_187, %sub3A_187 : vector<50x1xf32>
    %reduce_sum3A_189 = vector.shape_cast %integer_pow3A_188 : vector<50x1xf32> to vector<1x50x1xf32>
    %reduce_sum3A_190 = arith.constant dense<0.000000e+00> : vector<1xf32>
    %reduce_sum3A_191 = vector.multi_reduction <add>, %reduce_sum3A_189, %reduce_sum3A_190 [1, 2] : vector<1x50x1xf32> to vector<1xf32>
    %reduce_sum3A_192 = vector.shape_cast %reduce_sum3A_191 : vector<1xf32> to vector<1x1x1xf32>
    %reduce_sum3A_193 = vector.extract %reduce_sum3A_192[0, 0, 0] : f32 from vector<1x1x1xf32>
    %add3A_194 = arith.addf %add3A_186, %reduce_sum3A_193 : f32
    %div3A_195 = arith.constant 1.500000e+02 : f32
    %div3A_196 = arith.divf %add3A_194, %div3A_195 : f32
    %mul3A_197 = arith.constant 5.000000e-01 : f32
    %mul3A_198 = arith.mulf %div3A_196, %mul3A_197 : f32
    %sub3A_199 = arith.subf %tanh3A, %sin3A : vector<50x1xf32>
    %integer_pow3A_200 = arith.mulf %sub3A_199, %sub3A_199 : vector<50x1xf32>
    %reduce_sum3A_201 = vector.shape_cast %integer_pow3A_200 : vector<50x1xf32> to vector<1x50x1xf32>
    %reduce_sum3A_202 = arith.constant dense<0.000000e+00> : vector<1xf32>
    %reduce_sum3A_203 = vector.multi_reduction <add>, %reduce_sum3A_201, %reduce_sum3A_202 [1, 2] : vector<1x50x1xf32> to vector<1xf32>
    %reduce_sum3A_204 = vector.shape_cast %reduce_sum3A_203 : vector<1xf32> to vector<1x1x1xf32>
    %reduce_sum3A_205 = vector.extract %reduce_sum3A_204[0, 0, 0] : f32 from vector<1x1x1xf32>
    %div3A_206 = arith.constant 5.000000e+01 : f32
    %div3A_207 = arith.divf %reduce_sum3A_205, %div3A_206 : f32
    %sub3A_208 = arith.subf %tanh3A_87, %cos3A : vector<50x1xf32>
    %integer_pow3A_209 = arith.mulf %sub3A_208, %sub3A_208 : vector<50x1xf32>
    %reduce_sum3A_210 = vector.shape_cast %integer_pow3A_209 : vector<50x1xf32> to vector<1x50x1xf32>
    %reduce_sum3A_211 = arith.constant dense<0.000000e+00> : vector<1xf32>
    %reduce_sum3A_212 = vector.multi_reduction <add>, %reduce_sum3A_210, %reduce_sum3A_211 [1, 2] : vector<1x50x1xf32> to vector<1xf32>
    %reduce_sum3A_213 = vector.shape_cast %reduce_sum3A_212 : vector<1xf32> to vector<1x1x1xf32>
    %reduce_sum3A_214 = vector.extract %reduce_sum3A_213[0, 0, 0] : f32 from vector<1x1x1xf32>
    %div3A_215 = arith.constant 5.000000e+01 : f32
    %div3A_216 = arith.divf %reduce_sum3A_214, %div3A_215 : f32
    %mul3A_217 = arith.mulf %tanh3A, %tanh3A : vector<50x1xf32>
    %mul3A_218 = arith.mulf %tanh3A_87, %tanh3A_87 : vector<50x1xf32>
    %add3A_219 = arith.addf %mul3A_217, %mul3A_218 : vector<50x1xf32>
    %sqrt3A = math.sqrt %add3A_219 : vector<50x1xf32>
    %sub3A_220 = arith.constant 1.000000e+00 : f32
    %sub3A_221 = vector.broadcast %sub3A_220 : f32 to vector<50x1xf32>
    %sub3A_222 = arith.subf %sub3A_221, %sqrt3A : vector<50x1xf32>
    %integer_pow3A_223 = arith.mulf %sub3A_222, %sub3A_222 : vector<50x1xf32>
    %reduce_sum3A_224 = vector.shape_cast %integer_pow3A_223 : vector<50x1xf32> to vector<1x50x1xf32>
    %reduce_sum3A_225 = arith.constant dense<0.000000e+00> : vector<1xf32>
    %reduce_sum3A_226 = vector.multi_reduction <add>, %reduce_sum3A_224, %reduce_sum3A_225 [1, 2] : vector<1x50x1xf32> to vector<1xf32>
    %reduce_sum3A_227 = vector.shape_cast %reduce_sum3A_226 : vector<1xf32> to vector<1x1x1xf32>
    %reduce_sum3A_228 = vector.extract %reduce_sum3A_227[0, 0, 0] : f32 from vector<1x1x1xf32>
    %div3A_229 = arith.constant 5.000000e+01 : f32
    %div3A_230 = arith.divf %reduce_sum3A_228, %div3A_229 : f32
    %get3A_231 = arith.constant 0 : index
    %get3A_232 = arith.constant 0 : index
    %get3A_233 = memref.load %arg5[%get3A_231, %get3A_232] : memref<1x1xf32, #tpu.memory_space<smem>>
    %add3A_234 = arith.addf %div3A_31, %div3A_111 : f32
    %add3A_235 = arith.addf %add3A_234, %div3A_172 : f32
    %add3A_236 = arith.addf %add3A_235, %mul3A_198 : f32
    %add3A_237 = arith.addf %add3A_236, %div3A_207 : f32
    %add3A_238 = arith.addf %add3A_237, %div3A_216 : f32
    %add3A_239 = arith.addf %add3A_238, %div3A_230 : f32
    %add3A_240 = arith.addf %get3A_233, %add3A_239 : f32
    %swap3A = arith.constant 0 : index
    %swap3A_241 = arith.constant 0 : index
    %swap3A_242 = memref.load %arg5[%swap3A, %swap3A_241] : memref<1x1xf32, #tpu.memory_space<smem>>
    memref.store %add3A_240, %arg5[%swap3A, %swap3A_241] : memref<1x1xf32, #tpu.memory_space<smem>>
    return
  }
  func.func @transform_0(%arg0: i32) -> (i32, i32, i32) {
    %c0_i32 = arith.constant 0 : i32
    %c0_i32_0 = arith.constant 0 : i32
    %c0_i32_1 = arith.constant 0 : i32
    return %arg0, %c0_i32, %c0_i32_0 : i32, i32, i32
  }
  func.func @transform_1(%arg0: i32) -> (i32, i32, i32) {
    %c0_i32 = arith.constant 0 : i32
    %c0_i32_0 = arith.constant 0 : i32
    %c0_i32_1 = arith.constant 0 : i32
    return %arg0, %c0_i32, %c0_i32_0 : i32, i32, i32
  }
  func.func @transform_2(%arg0: i32) -> (i32, i32, i32) {
    %c0_i32 = arith.constant 0 : i32
    %c0_i32_0 = arith.constant 0 : i32
    %c0_i32_1 = arith.constant 0 : i32
    return %arg0, %c0_i32, %c0_i32_0 : i32, i32, i32
  }
  func.func @transform_3(%arg0: i32) -> (i32, i32, i32) {
    %c0_i32 = arith.constant 0 : i32
    %c0_i32_0 = arith.constant 0 : i32
    %c0_i32_1 = arith.constant 0 : i32
    return %arg0, %c0_i32, %c0_i32_0 : i32, i32, i32
  }
  func.func @transform_4(%arg0: i32) -> (i32, i32) {
    %c0_i32 = arith.constant 0 : i32
    %c0_i32_0 = arith.constant 0 : i32
    %c0_i32_1 = arith.constant 0 : i32
    return %c0_i32, %c0_i32_0 : i32, i32
  }
}

</mosaic_0001>

<sc_bundles>
// kernel: kernel.4.cloned.1.call-start
scs
__scs_entry_jumppad:
0x0: {  	(pc) =	sbr.rel $0x88, $3  }
0x1: {  	(tag) =	ssettag $0x0;
	lr =	simm.s32 $0x1  }
0x2: {  	[smem:$0x3F9F] =	sst lr;
	_ =	strace $0xD0000000  }
0x3: {  	_ = 	snop  }
0x4: {  	_ = 	snop  }
0x5: {  	_ = 	snop  }
0x6: {  	_ = 	snop  }
0x7: {  	_ = 	snop  }
__scs_overlays_trampoline_lowered:
0x8: {  	[smem:$0x3FAE] =	sst s0  }
0x9: {  	[smem:$0x3FAF] =	sst s1  }
0xa: {  	[smem:$0x3FB0] =	sst s2  }
0xb: {  	[smem:$0x3FB1] =	sst s3  }
0xc: {  	[smem:$0x3FB2] =	sst s4  }
0xd: {  	[smem:$0x3FB3] =	sst s5  }
0xe: {  	[smem:$0x3FB4] =	sst s6  }
0xf: {  	[smem:$0x3FB5] =	sst s7  }
0x10: {  	[smem:$0x3FB6] =	sst s8  }
0x11: {  	[smem:$0x3FB7] =	sst s9;
	s0 =	simm.s32 @!p0 $0x0  }
0x12: {  	s1 =	sld [smem:$0x3F9D];
	s0 =	simm.s32 @p0 $0x1  }
0x13: {  	[smem:$0x3FB8] =	sst s0;
	s0 =	simm.s32 @!p1 $0x0  }
0x14: {  	s2 =	sld [smem:$0x3F9C];
	s0 =	simm.s32 @p1 $0x1  }
0x15: {  	[smem:$0x3FB9] =	sst s0;
	s0 =	simm.s32 @!p2 $0x0  }
0x16: {  	s3 =	sld [smem:$0x3FDB];
	s0 =	simm.s32 @p2 $0x1  }
0x17: {  	s4 =	simm.s32 $0x1BF5;
	[smem:$0x3FBB] =	sst s0  }
0x18: {  	s0 =	sld [smem:$0x3F9E];
	_ =	swait.ge [sflag:s4], $0x0  }
0x19: {  	s7 =	sld [smem:$0x3F9F]  }
0x1a: {  	s8 =	sadd.s32 $0xFFFFE003, lr  }
0x1b: {  	s9 =	sadd.s32 $0xFFFFFEF7, lr;
	s5 =	simm.s32 $0xFFFFFFFF;
	p2 =	slt.u32 s8, $0xFFFFF086  }
0x1c: {  	p1 =	slt.u32 s9, $0xF7A;
	s5 =	simm.s32 @!p2 $0x0  }
0x1d: {  	s5 =	simm.s32 @p1 $0x1;
	p0 =	seq.s32 s7, s2  }
0x1e: {  	s7 =	smul.u32 @!p0 $0xF7A, s2;
	p2 =	seq.s32 @!p0 s5, $0x0  }
0x1f: {  	s9 =	smul.u32 $0xF7A, s1;
	s8 =	simm.s32 @!p0 $0x1BF5;
	p2 =	por !p2, p0  }
0x20: {  	[sflag:s8] =	ssyncset.s32 @!p0 $0xFFFFF086;
	s6 =	sadd.s32 @!p0 s3, s7;
	s7 =	simm.s32 @!p0 $0x108  }
0x21: {  	s3 =	sadd.s32 s3, s9;
	s6 =	sadd.s32 @!p0 $0x88, s6;
	s7 =	simm.s32 @p2 $0x1082  }
0x22: {  	[simem:s7], [sflag:s8] =	dma.local @!p0 [hbm:s6], $0xF7A  }
0x23: {  	s9 =	sor.u32 $0xD0000000, s2;
	s6 =	simm.s32 $0x108;
	_ =	swait.ge @!p0 [sflag:s8], $0x0  }
0x24: {  	s3 =	sadd.s32 $0x88, s3;
	s6 =	simm.s32 @!p1 $0x1082;
	[sflag:s4] =	ssyncset.s32 $0xFFFFF086  }
0x25: {  	[simem:s6], [sflag:s4] =	dma.local [hbm:s3], $0xF7A  }
0x26: {  	[smem:$0x3F9F] =	sst s1;
	(tag) =	ssettag s2;
	_ =	strace s9  }
0x27: {  	s1 =	sld [smem:$0x3FAF]  }
0x28: {  	s2 =	sld [smem:$0x3FB0]  }
0x29: {  	s4 =	sld [smem:$0x3FB2]  }
0x2a: {  	p0 =	seq.s32 s5, $0x0;
	s5 =	sld [smem:$0x3FB3]  }
0x2b: {  	s6 =	sld [smem:$0x3FB4]  }
0x2c: {  	s7 =	sld [smem:$0x3FB5]  }
0x2d: {  	s3 =	simm.s32 $0x108;
	s8 =	sld [smem:$0x3FB6]  }
0x2e: {  	s3 =	simm.s32 @!p0 $0x1082;
	s9 =	sld [smem:$0x3FB7]  }
0x2f: {  	lr =	sadd.s32 s0, s3;
	s0 =	sld [smem:$0x3FAE]  }
0x30: {  	s3 =	sld [smem:$0x3FB1]  }
0x31: {  	[smem:$0x3FBA] =	sst s10  }
0x32: {  	s10 =	sld [smem:$0x3FB8];
	_ =	sdelay $0x3  }
0x33: {  	p0 =	seq.s32 s10, $0x1;
	s10 =	sld [smem:$0x3FBA];
	_ =	sdelay $0x3  }
0x34: {  	[smem:$0x3FBA] =	sst s10  }
0x35: {  	s10 =	sld [smem:$0x3FB9];
	_ =	sdelay $0x3  }
0x36: {  	p1 =	seq.s32 s10, $0x1;
	s10 =	sld [smem:$0x3FBA];
	_ =	sdelay $0x3  }
0x37: {  	[smem:$0x3FBA] =	sst s10  }
0x38: {  	s10 =	sld [smem:$0x3FBB]  }
0x39: {  	_ = 	snop;
	(pc) =	sbr.ind lr, $3  }
0x3a: {  	_ = 	snop  }
0x3b: {  	_ = 	snop  }
0x3c: {  	p2 =	seq.s32 s10, $0x1;
	s10 =	sld [smem:$0x3FBA]  }
0x3d: {  	_ =	shalt  }
0x3e: {  	_ =	shalt  }
0x3f: {  	_ =	shalt  }
0x40: {  	_ =	shalt  }
0x41: {  	_ =	shalt  }
0x42: {  	_ =	shalt  }
0x43: {  	_ =	shalt  }
0x44: {  	_ =	shalt  }
0x45: {  	_ =	shalt  }
0x46: {  	_ =	shalt  }
0x47: {  	_ =	shalt  }
0x48: {  	_ =	shalt  }
0x49: {  	_ =	shalt  }
0x4a: {  	_ =	shalt  }
0x4b: {  	_ =	shalt  }
0x4c: {  	_ =	shalt  }
0x4d: {  	_ =	shalt  }
0x4e: {  	_ =	shalt  }
0x4f: {  	_ =	shalt  }
0x50: {  	_ =	shalt  }
0x51: {  	_ =	shalt  }
0x52: {  	_ =	shalt  }
0x53: {  	_ =	shalt  }
0x54: {  	_ =	shalt  }
0x55: {  	_ =	shalt  }
0x56: {  	_ =	shalt  }
0x57: {  	_ =	shalt  }
0x58: {  	_ =	shalt  }
0x59: {  	_ =	shalt  }
0x5a: {  	_ =	shalt  }
0x5b: {  	_ =	shalt  }
0x5c: {  	_ =	shalt  }
0x5d: {  	_ =	shalt  }
0x5e: {  	_ =	shalt  }
0x5f: {  	_ =	shalt  }
0x60: {  	_ =	shalt  }
0x61: {  	_ =	shalt  }
0x62: {  	_ =	shalt  }
0x63: {  	_ =	shalt  }
0x64: {  	_ =	shalt  }
0x65: {  	_ =	shalt  }
0x66: {  	_ =	shalt  }
0x67: {  	_ =	shalt  }
0x68: {  	_ =	shalt  }
0x69: {  	_ =	shalt  }
0x6a: {  	_ =	shalt  }
0x6b: {  	_ =	shalt  }
0x6c: {  	_ =	shalt  }
0x6d: {  	_ =	shalt  }
0x6e: {  	_ =	shalt  }
0x6f: {  	_ =	shalt  }
0x70: {  	_ =	shalt  }
0x71: {  	_ =	shalt  }
0x72: {  	_ =	shalt  }
0x73: {  	_ =	shalt  }
0x74: {  	_ =	shalt  }
0x75: {  	_ =	shalt  }
0x76: {  	_ =	shalt  }
0x77: {  	_ =	shalt  }
0x78: {  	_ =	shalt  }
0x79: {  	_ =	shalt  }
0x7a: {  	_ =	shalt  }
0x7b: {  	_ =	shalt  }
0x7c: {  	_ =	shalt  }
0x7d: {  	_ =	shalt  }
0x7e: {  	_ =	shalt  }
0x7f: {  	_ =	shalt  }
0x80: {  	_ =	shalt  }
0x81: {  	_ =	shalt  }
0x82: {  	_ =	shalt  }
0x83: {  	_ =	shalt  }
0x84: {  	_ =	shalt  }
0x85: {  	_ =	shalt  }
0x86: {  	_ =	shalt  }
0x87: {  	_ =	shalt  }
.Lfunc_end0:
.L_simem_size_0:
called_computation_lowered:
.L_overlay_start_0:
0x88: {  	s2 =	sld [smem:$0x3FD9]  }
0x89: {  	s3 =	sld [smem:$0x3FFE];
	_ =	sdelay $0x1  }
0x8a: {  	s1 =	srdreg.scid  }
0x8b: {  	s0 =	sand.u32 $0x1, s1  }
0x8c: {  	s16 =	sshll.u32 s0, $0xA;
	s2 =	sadd.s32 s3, s2  }
0x8d: {  	s2 =	sadd.s32 s2, s16  }
0x8e: {  	[smem:$0x3FC6] =	sst s2  }
0x8f: {  	_ = 	snop  }
0x90: {  	(tm) =	ssettm $0x1  }
0x91: {  	s17 =	sld [smem:$0x3FFB];
	_ =	sdelay $0x3  }
0x92: {  	_ =	strace s17  }
0x93: {  	s2 =	sld [smem:$0x3FFC];
	_ =	sdelay $0x3  }
0x94: {  	_ =	strace s2  }
0x95: {  	s2 =	sld [smem:$0x3FFD];
	_ =	sdelay $0x3  }
0x96: {  	_ =	strace s2  }
0x97: {  	_ =	strace $0x8FFFFFFF  }
0x98: {  	s18 =	sld [smem:$0x3FDB];
	_ =	sdelay $0x1  }
0x99: {  	s19 =	simm.s32 $_scs_section_size  }
0x9a: {  	s4 =	simm.s32 $_size__tile_overlayer_lowered;
	s5 =	simm.s32 $_tile_overlayer_lowered  }
0x9b: {  	s22 =	simm.s32 $0x1BFF;
	s21 =	sshll.u32 s5, $0x1;
	s2 =	sadd.s32 s19, s18  }
0x9c: {  	s6 =	simm.s32 $0x0;
	s20 =	sshll.u32 s4, $0x1;
	s4 =	sadd.s32 s21, s2  }
0x9d: {  	[timem:s6], [sflag:s22] =	dma.local [hbm:s4], s20  }
0x9e: {  	_ =	swait.ge [sflag:s22], s20  }
0x9f: {  	s3 =	ssub.s32 $0x0, s20;
	[sflag:s22] =	ssyncset.done $0x0  }
0xa0: {  	[sflag:s22] =	ssyncadd.s32 s3;
	_ =	sdelay $0x1  }
0xa1: {  	s23 =	simm.s32 $0x1B8B  }
0xa2: {  	_ =	swait.ge [sflag:s23], $0x1  }
0xa3: {  	[sflag:s23] =	ssyncset.done $0x0  }
0xa4: {  	s25 =	simm.s32 $0x1B8E;
	s24 =	sld [smem:$0x3FFE];
	[sflag:s23] =	ssyncadd.s32 $0xFFFFFFFF  }
0xa5: {  	s26 =	simm.s32 $execute0_lowered;
	[smem:$0x3FD2] =	sst s25  }
0xa6: {  	s4 =	sshll.u32 s26, $0x1;
	_ =	strace $0x80000046;
	[dreg:$0x1] =	wrdreg $0xFFFFFFFF  }
0xa7: {  	s28 =	simm.s32 $_size_execute0_lowered;
	s2 =	sadd.s32 s2, s4;
	[dreg:$0x0] =	wrdreg $0x0  }
0xa8: {  	s4 =	sshll.u32 s28, $0x1;
	[dreg:$0x2] =	wrdreg s2  }
0xa9: {  	[dreg:$0x3] =	wrdreg s4  }
0xaa: {  	[dreg:$0x4] =	wrdreg $0xC0  }
0xab: {  	_ =	task [dreg:s6], $0x5FFFF  }
0xac: {  	[dreg:$0x1] =	wrdreg $0xFFFFFFFF  }
0xad: {  	[dreg:$0x0] =	wrdreg $0x60  }
0xae: {  	[dreg:$0x2] =	wrdreg s24  }
0xaf: {  	[dreg:$0x3] =	wrdreg $0x9  }
0xb0: {  	_ =	task.clear_ibuf [dreg:s6], $0x4FFFF;
	_ =	strace $0x90000046  }
0xb1: {  	s29 =	simm.s32 $0x9;
	_ =	strace $0x80000048  }
0xb2: {  	_ =	swait.ge [sflag:s29], $0x1  }
0xb3: {  	[sflag:s29] =	ssyncadd.s32 $0xFFFFFFFF  }
0xb4: {  	_ =	strace $0x90000048  }
0xb5: {  	_ =	sfence  }
0xb6: {  	s30 =	sld [smem:$0x0];
	_ =	sdelay $0x2  }
0xb7: {  	s31 =	sshll.u32 s1, $0xD;
	s1 =	sshrl.u32 s1, $0x2  }
0xb8: {  	s3 =	sand.u32 $0x4000, s31;
	s1 =	sadd.s32 s1, s30  }
0xb9: {  	s0 =	sor.u32 s3, s0;
	s1 =	sshll.u32 s1, $0x11  }
0xba: {  	s0 =	sor.u32 s1, s0  }
0xbb: {  	s0 =	sadd.s32 $0x8F2B, s0  }
0xbc: {  	[sflag:s0] =	ssyncadd.remote.s32 $0x1  }
0xbd: {  	_ =	sfence.sel $0xFFFF  }
0xbe: {  	[dreg:$0x0] =	wrdreg $0xFFFFFFFF;
	(pc) =	sbr.abs _section_cstart, $3  }
0xbf: {  	[dreg:$0x1] =	wrdreg $0xFFFFFFFF  }
0xc0: {  	_ =	task.clear_ibuf [dreg:s6], $0x2FFFF;
	_ =	strace $0x9FFFFFFF  }
0xc1: {  	(tm) =	ssettm $0x7FFFFFFF  }
tec
execute0_lowered:
.L_overlay_start_1:
0x0: {  	(tag) =	ssettag $0x1  }
0x1: {  	s0 =	stileid.u32  }
0x2: {  	s1 =	srdreg.scid;
	s2 =	sshll.u32 s0, $0x4  }
0x3: {  	s5 =	rddreg [dreg:$0x0];
	s4 =	sand.u32 $0x1, s1;
	s23 =	smax.u32 s2, $0x1  }
0x4: {  	s31 =	simm.s32 $0x2;
	s3 =	smul.u32 $0x1200, s4;
	s2 =	smin.u32 s23, $0xEF  }
0x5: {  	s30 =	simm.s32 $0x1;
	s1 =	simm.s32 $0x0;
	s2 =	sadd.s32 $0xFFFFFFFF, s2  }
0x6: {  	s6 =	sadd.s32 $0x1600, s5;
	s7 =	ssub.s32 $0x2, s4;
	s3 =	sadd.s32 s3, s2  }
0x7: {  	[smem:$0x7FF] =	sst s1;
	s9 =	sshrl.u32 s7, $0x1;
	s8 =	sshll.u32 s3, $0x5  }
0x8: {  	s7 =	ssub.s32 s7, s9;
	s3 =	sadd.s32 $0x49600, s5;
	s10 =	sadd.s32 $0x4000, s8  }
0x9: {  	s24 =	sand.u32 $0x1FFFDFE0, s8;
	s26 =	sadd.s32 $0x6000, s8;
	s28 =	sadd.s32 $0x8000, s8  }
0xa: {  	s11 =	sadd.s32 $0xA000, s8;
	s16 =	sadd.s32 $0xC000, s8;
	s17 =	sadd.s32 $0xE000, s8  }
0xb: {  	s18 =	sadd.s32 $0x10000, s8;
	s22 =	sadd.s32 $0x12000, s8;
	s23 =	sadd.s32 $0x14000, s8  }
0xc: {  	s10 =	sand.u32 $0x1FFFDFE0, s10;
	s12 =	sadd.s32 s6, s24;
	s9 =	sand.u32 $0x1FFFFFE0, s26  }
0xd: {  	s13 =	sand.u32 $0x1FFFDFE0, s28;
	s14 =	sand.u32 $0x1FFFFFE0, s11;
	s19 =	sand.u32 $0x1FFFFFE0, s17  }
0xe: {  	s20 =	sand.u32 $0x1FFFDFE0, s18;
	s24 =	sadd.s32 $0x16000, s8;
	s11 =	sadd.s32 $0x1A000, s8  }
0xf: {  	s17 =	sadd.s32 $0x1E000, s8;
	s18 =	sadd.s32 $0x20000, s8;
	s25 =	sadd.s32 s6, s10  }
0x10: {  	s9 =	sadd.s32 s6, s9;
	s15 =	sadd.s32 s6, s14;
	s21 =	sadd.s32 s6, s20  }
0x11: {  	s26 =	sand.u32 $0x1FFFFFE0, s24;
	s10 =	sadd.s32 $0x18000, s8;
	[dreg:$0x2] =	wrdreg s25  }
0x12: {  	s14 =	sand.u32 $0x1FFFFFE0, s11;
	s20 =	sshll.u32 s0, $0xA;
	[dreg:$0x3] =	wrdreg s9  }
0x13: {  	s24 =	sshll.u32 s4, $0x11;
	s29 =	sadd.s32 $0x2000, s12;
	[dreg:$0x5] =	wrdreg s15  }
0x14: {  	s9 =	sadd.s32 s6, s13;
	[dreg:$0x8] =	wrdreg s21;
	s25 =	sand.u32 $0x1FFFDFE0, s23  }
0x15: {  	s28 =	sadd.s32 s6, s26;
	[dreg:$0x4] =	wrdreg s9;
	s9 =	sand.u32 $0x1FFFDFE0, s16  }
0x16: {  	s13 =	sadd.s32 $0x1C000, s8;
	s8 =	sadd.s32 $0x22000, s8;
	s9 =	sadd.s32 s6, s9  }
0x17: {  	s21 =	smul.u32 $0xC8, s4;
	[dreg:$0x6] =	wrdreg s9;
	s9 =	sadd.s32 s6, s19  }
0x18: {  	s23 =	smul.u32 $0xAF0, s4;
	[dreg:$0x7] =	wrdreg s9;
	s9 =	sand.u32 $0x1FFFFFE0, s22  }
0x19: {  	[dreg:$0xb] =	wrdreg s28;
	s15 =	sand.u32 $0x1FFFDFE0, s13;
	s9 =	sadd.s32 s6, s9  }
0x1a: {  	s8 =	sand.u32 $0x1FFFFFE0, s8;
	[dreg:$0x9] =	wrdreg s9;
	s9 =	sadd.s32 s6, s25  }
0x1b: {  	s16 =	sadd.s32 s6, s15;
	[dreg:$0xa] =	wrdreg s9;
	s9 =	sand.u32 $0x1FFFDFE0, s10  }
0x1c: {  	v0 =	vimm.f32 $0.0e+00;
	s26 =	sshrl.u32 s23, $0x2;
	[dreg:$0xe] =	wrdreg s16;
	s9 =	sadd.s32 s6, s9  }
0x1d: {  	v1 =	vimm.f32 $1.000000000e+00;
	v2 =	vimm.s32 $0x0;
	vm0 =	vcmask $0x300;
	s19 =	sand.u32 $0x1FFFDFE0, s18;
	[dreg:$0xc] =	wrdreg s9;
	s9 =	sadd.s32 s6, s14  }
0x1e: {  	v3 =	vimm.s32 $0x4DD3;
	vm1 =	vcmask $0xF0C;
	vm2 =	vcmask $0x1310;
	s22 =	sshll.u32 s4, $0xE;
	[dreg:$0xd] =	wrdreg s9;
	s9 =	sand.u32 $0x1FFFFFE0, s17  }
0x1f: {  	vm3 =	vcmask $0x704;
	v5 =	vimm.s32 $0x543F;
	v4 =	vsel vm0, $0xFFFFFF00, v2;
	s4 =	sor.u32 $0x2000, s26;
	s25 =	smax.u32 s7, $0x1;
	s9 =	sadd.s32 s6, s9  }
0x20: {  	vm0 =	vcmask $0xB08;
	v3 =	vunpack.c.l.s2.s4 v3;
	v2 =	vsel vm3, $0x1200, v2;
	[dreg:$0xf] =	wrdreg s9;
	s9 =	sadd.s32 s6, s19;
	s6 =	sadd.s32 s6, s8  }
0x21: {  	vm3 =	vcmask $0x1714;
	v5 =	vunpack.c.l.s2.s4 v5;
	v4 =	vsel vm0, $0x100, v4;
	s7 =	simm.s32 $0x0;
	[dreg:$0x11] =	wrdreg s6;
	s6 =	sadd.s32 s3, s20  }
.Ltmp0:
0x22: {  	v2 =	vsel vm0, $0x2400, v2;
	vm0 =	vcmask $0x1F1C;
	v4 =	vsel vm1, $0xFFFFFF00, v4;
	[dreg:$0x10] =	wrdreg s9;
	s6 =	sadd.s32 s22, s6;
	(pc) =	sbr.rel .LBB2_1-.Ltmp0, $4  }
0x23: {  	v3 =	vunpack.c.l.s4.s8 v3;
	v2 =	vsel vm1, $0x3600, v2;
	v5 =	vunpack.c.l.s4.s8 v5;
	s8 =	sadd.s32 s21, s5;
	s5 =	sadd.s32 $0x1400, s5;
	[dreg:$0x12] =	wrdreg s6  }
0x24: {  	vm1 =	vmmov $0xff;
	v4 =	vsel vm2, $0x100, v4;
	v6 =	vsel vm2, $0x7E00, v2;
	s28 =	sadd.s32 $0x53600, s8;
	_ =	strace $0x80000047;
	[dreg:$0x13] =	wrdreg s5  }
0x25: {  	v4 =	vsel vm3, $0xFFFFFF00, v4;
	v2 =	vunpack.c.0.s8.s32 v3;
	v5 =	vunpack.c.0.s8.s32 v5;
	s9 =	smov.u32 s12;
	s20 =	simm.s32 $0x2600;
	[dreg:$0x14] =	wrdreg s25  }
0x26: {  	v3 =	vsel vm0, $0x100, v4;
	v4 =	vsel vm3, $0x9000, v6;
	vm0 =	vmmov $0xffff;
	s6 =	simm.s32 $0x16A80;
	[dreg:$0x15] =	wrdreg s28;
	s5 =	simm.s32 $0x16A00  }
.LBB2_7:
0x27: {  	s7 =	sadd.s32 $0x1, s7;
	s8 =	rddreg [dreg:$0x14]  }
0x28: {  	p0 =	sne.s32 s7, s8  }
.Ltmp1:
0x29: {  	_ = 	snop;
	(pc) =	sbr.rel @!p0 .LBB2_8-.Ltmp1, $1  }
0x2a: {  	_ =	sdelay $0x3  }
.LBB2_1:
0x2b: {  	[tilespmem:$0x16A00] =	vst v0;
	s8 =	rddreg [dreg:$0x13];
	s10 =	simm.s32 $0x2000  }
0x2c: {  	[tilespmem:s10], [sflag:$0x2] =	stream.linear.gather [hbm4b:s8+s1], $0x578, $0x38;
	[tilespmem:$0x16B00] =	vst v63  }
0x2d: {  	_ =	swait.ge [sflag:s31], $0x578  }
0x2e: {  	[sflag:s31] =	ssyncset.done $0x0  }
0x2f: {  	[sflag:s31] =	ssyncadd.s32 $0xFFFFFA88  }
0x30: {  	[tilespmem:s20], [sflag:$0x1] =	stream.linear.gather [hbm4b:s9+s1], $0x1200, $0x38;
	[tilespmem:$0x16B00] =	vst v63  }
0x31: {  	s28 =	simm.s32 $0x3800  }
0x32: {  	[tilespmem:s28], [sflag:$0x1] =	stream.linear.gather [hbm4b:s29+s1], $0x1200, $0x38;
	[tilespmem:$0x16B00] =	vst v63  }
0x33: {  	s11 =	simm.s32 $0x4A00;
	s10 =	rddreg [dreg:$0x2]  }
0x34: {  	[tilespmem:s11], [sflag:$0x1] =	stream.linear.gather [hbm4b:s10+s1], $0x1200, $0x38;
	[tilespmem:$0x16B00] =	vst v63  }
0x35: {  	s13 =	simm.s32 $0x5C00;
	s12 =	rddreg [dreg:$0x3]  }
0x36: {  	[tilespmem:s13], [sflag:$0x1] =	stream.linear.gather [hbm4b:s12+s1], $0x1200, $0x38;
	[tilespmem:$0x16B00] =	vst v63  }
0x37: {  	s15 =	simm.s32 $0x6E00;
	s14 =	rddreg [dreg:$0x4]  }
0x38: {  	[tilespmem:s15], [sflag:$0x1] =	stream.linear.gather [hbm4b:s14+s1], $0x1200, $0x38;
	[tilespmem:$0x16B00] =	vst v63  }
0x39: {  	s17 =	simm.s32 $0x8000;
	s16 =	rddreg [dreg:$0x5]  }
0x3a: {  	[tilespmem:s17], [sflag:$0x1] =	stream.linear.gather [hbm4b:s16+s1], $0x1200, $0x38;
	[tilespmem:$0x16B00] =	vst v63  }
0x3b: {  	s19 =	simm.s32 $0x9200;
	s18 =	rddreg [dreg:$0x6]  }
0x3c: {  	[tilespmem:s19], [sflag:$0x1] =	stream.linear.gather [hbm4b:s18+s1], $0x1200, $0x38;
	[tilespmem:$0x16B00] =	vst v63  }
0x3d: {  	s22 =	simm.s32 $0xA400;
	s21 =	rddreg [dreg:$0x7]  }
0x3e: {  	[tilespmem:s22], [sflag:$0x1] =	stream.linear.gather [hbm4b:s21+s1], $0x1200, $0x38;
	[tilespmem:$0x16B00] =	vst v63  }
0x3f: {  	s25 =	simm.s32 $0xB600;
	s23 =	rddreg [dreg:$0x8]  }
0x40: {  	[tilespmem:s25], [sflag:$0x1] =	stream.linear.gather [hbm4b:s23+s1], $0x1200, $0x38;
	[tilespmem:$0x16B00] =	vst v63  }
0x41: {  	s26 =	rddreg [dreg:$0x9];
	s28 =	simm.s32 $0xC800  }
0x42: {  	[tilespmem:s28], [sflag:$0x1] =	stream.linear.gather [hbm4b:s26+s1], $0x1200, $0x38;
	[tilespmem:$0x16B00] =	vst v63  }
0x43: {  	s10 =	rddreg [dreg:$0xa];
	s11 =	simm.s32 $0xDA00  }
0x44: {  	[tilespmem:s11], [sflag:$0x1] =	stream.linear.gather [hbm4b:s10+s1], $0x1200, $0x38;
	[tilespmem:$0x16B00] =	vst v63  }
0x45: {  	s12 =	rddreg [dreg:$0xb];
	s13 =	simm.s32 $0xEC00  }
0x46: {  	[tilespmem:s13], [sflag:$0x1] =	stream.linear.gather [hbm4b:s12+s1], $0x1200, $0x38;
	[tilespmem:$0x16B00] =	vst v63  }
0x47: {  	s14 =	rddreg [dreg:$0xc];
	s15 =	simm.s32 $0xFE00  }
0x48: {  	[tilespmem:s15], [sflag:$0x1] =	stream.linear.gather [hbm4b:s14+s1], $0x1200, $0x38;
	[tilespmem:$0x16B00] =	vst v63  }
0x49: {  	s16 =	rddreg [dreg:$0xd];
	s17 =	simm.s32 $0x11000  }
0x4a: {  	[tilespmem:s17], [sflag:$0x1] =	stream.linear.gather [hbm4b:s16+s1], $0x1200, $0x38;
	[tilespmem:$0x16B00] =	vst v63  }
0x4b: {  	s18 =	rddreg [dreg:$0xe];
	s19 =	simm.s32 $0x12200  }
0x4c: {  	[tilespmem:s19], [sflag:$0x1] =	stream.linear.gather [hbm4b:s18+s1], $0x1200, $0x38;
	[tilespmem:$0x16B00] =	vst v63  }
0x4d: {  	s21 =	rddreg [dreg:$0xf];
	s22 =	simm.s32 $0x13400  }
0x4e: {  	[tilespmem:s22], [sflag:$0x1] =	stream.linear.gather [hbm4b:s21+s1], $0x1200, $0x38;
	[tilespmem:$0x16B00] =	vst v63  }
0x4f: {  	s8 =	simm.s32 $0x40;
	s23 =	rddreg [dreg:$0x10];
	s25 =	simm.s32 $0x14600  }
0x50: {  	[tilespmem:s25], [sflag:$0x1] =	stream.linear.gather [hbm4b:s23+s1], $0x1200, $0x38;
	[tilespmem:$0x16B00] =	vst v63  }
0x51: {  	s26 =	rddreg [dreg:$0x11];
	s28 =	simm.s32 $0x15800;
	s10 =	simm.s32 $0x0  }
0x52: {  	[tilespmem:s28], [sflag:$0x1] =	stream.linear.gather [hbm4b:s26+s1], $0x1200, $0x38;
	[tilespmem:$0x16B00] =	vst v63  }
.LBB2_2:
0x53: {  	p0 =	sne.s32 s8, $0x7FC0;
	[tilespmem:s10+$0x0] =	vst v1;
	s10 =	smov.u32 s8;
	s8 =	sadd.s32 $0x40, s8  }
.Ltmp2:
0x54: {  	(pc) =	sbr.rel @p0 .LBB2_2-.Ltmp2, $2  }
0x55: {  	_ =	sdelay $0x2  }
0x56: {  	s10 =	sshra.s32 s10, $0x2  }
0x57: {  	[tilespmem:s10+$0x0] =	vst v1;
	s8 =	simm.s32 $0x0;
	s26 =	rddreg [dreg:$0x12]  }
0x58: {  	[hbm4b:s26+s8] =	stream.linear.scatter [tilespmem:s8], [sflag:$0x2], $0x2000, $0x38;
	[tilespmem:$0x16B00] =	vst v63  }
0x59: {  	_ =	swait.ge [sflag:s31], $0x2000  }
0x5a: {  	[sflag:s31] =	ssyncset.done $0x0  }
0x5b: {  	[sflag:s31] =	ssyncadd.s32 $0xFFFFE000  }
0x5c: {  	[bflag:$0x0] =	sbarrier.arrive $0xFFFF  }
0x5d: {  	_ =	swait.ge [sflag:s30], $0x1200  }
0x5e: {  	[sflag:s30] =	ssyncset.done $0x0  }
0x5f: {  	[sflag:s30] =	ssyncadd.s32 $0xFFFFEE00  }
0x60: {  	_ =	swait.ge [sflag:s30], $0x1200  }
0x61: {  	[sflag:s30] =	ssyncset.done $0x0  }
0x62: {  	[sflag:s30] =	ssyncadd.s32 $0xFFFFEE00  }
0x63: {  	_ =	swait.ge [sflag:s30], $0x1200  }
0x64: {  	[sflag:s30] =	ssyncset.done $0x0  }
0x65: {  	[sflag:s30] =	ssyncadd.s32 $0xFFFFEE00  }
0x66: {  	_ =	swait.ge [sflag:s30], $0x1200  }
0x67: {  	[sflag:s30] =	ssyncset.done $0x0  }
0x68: {  	[sflag:s30] =	ssyncadd.s32 $0xFFFFEE00  }
0x69: {  	_ =	swait.ge [sflag:s30], $0x1200  }
0x6a: {  	[sflag:s30] =	ssyncset.done $0x0  }
0x6b: {  	[sflag:s30] =	ssyncadd.s32 $0xFFFFEE00  }
0x6c: {  	_ =	swait.ge [sflag:s30], $0x1200  }
0x6d: {  	[sflag:s30] =	ssyncset.done $0x0  }
0x6e: {  	[sflag:s30] =	ssyncadd.s32 $0xFFFFEE00  }
0x6f: {  	_ =	swait.ge [sflag:s30], $0x1200  }
0x70: {  	[sflag:s30] =	ssyncset.done $0x0  }
0x71: {  	[sflag:s30] =	ssyncadd.s32 $0xFFFFEE00  }
0x72: {  	_ =	swait.ge [sflag:s30], $0x1200  }
0x73: {  	[sflag:s30] =	ssyncset.done $0x0  }
0x74: {  	[sflag:s30] =	ssyncadd.s32 $0xFFFFEE00  }
0x75: {  	_ =	swait.ge [sflag:s30], $0x1200  }
0x76: {  	[sflag:s30] =	ssyncset.done $0x0  }
0x77: {  	[sflag:s30] =	ssyncadd.s32 $0xFFFFEE00  }
0x78: {  	_ =	swait.ge [sflag:s30], $0x1200  }
0x79: {  	[sflag:s30] =	ssyncset.done $0x0  }
0x7a: {  	[sflag:s30] =	ssyncadd.s32 $0xFFFFEE00  }
0x7b: {  	_ =	swait.ge [sflag:s30], $0x1200  }
0x7c: {  	[sflag:s30] =	ssyncset.done $0x0  }
0x7d: {  	[sflag:s30] =	ssyncadd.s32 $0xFFFFEE00  }
0x7e: {  	_ =	swait.ge [sflag:s30], $0x1200  }
0x7f: {  	[sflag:s30] =	ssyncset.done $0x0  }
0x80: {  	[sflag:s30] =	ssyncadd.s32 $0xFFFFEE00  }
0x81: {  	_ =	swait.ge [sflag:s30], $0x1200  }
0x82: {  	[sflag:s30] =	ssyncset.done $0x0  }
0x83: {  	[sflag:s30] =	ssyncadd.s32 $0xFFFFEE00  }
0x84: {  	_ =	swait.ge [sflag:s30], $0x1200  }
0x85: {  	[sflag:s30] =	ssyncset.done $0x0  }
0x86: {  	[sflag:s30] =	ssyncadd.s32 $0xFFFFEE00  }
0x87: {  	_ =	swait.ge [sflag:s30], $0x1200  }
0x88: {  	[sflag:s30] =	ssyncset.done $0x0  }
0x89: {  	[sflag:s30] =	ssyncadd.s32 $0xFFFFEE00  }
0x8a: {  	_ =	swait.ge [sflag:s30], $0x1200  }
0x8b: {  	[sflag:s30] =	ssyncset.done $0x0  }
0x8c: {  	[sflag:s30] =	ssyncadd.s32 $0xFFFFEE00  }
0x8d: {  	_ =	swait.ge [sflag:s30], $0x1200  }
.Ltmp3:
0x8e: {  	[sflag:s30] =	ssyncset.done $0x0;
	(pc) =	sbr.rel .LBB2_4-.Ltmp3, $4  }
0x8f: {  	[sflag:s30] =	ssyncadd.s32 $0xFFFFEE00  }
0x90: {  	_ =	swait.ge [sflag:s30], $0x1200  }
0x91: {  	[sflag:s30] =	ssyncset.done $0x0  }
0x92: {  	s28 =	smov.u32 s4;
	s26 =	rddreg [dreg:$0x15];
	[sflag:s30] =	ssyncadd.s32 $0xFFFFEE00  }
.LBB2_6:
0x93: {  	s8 =	sadd.s32 $0x1, s8  }
0x94: {  	p0 =	sne.s32 s8, $0x64  }
.Ltmp4:
0x95: {  	_ = 	snop;
	(pc) =	sbr.rel @!p0 .LBB2_7-.Ltmp4, $2  }
0x96: {  	_ =	sdelay $0x2  }
0x97: {  	s26 =	sadd.s32 $0x2, s26;
	s28 =	sadd.s32 $0x7, s28  }
.LBB2_4:
0x98: {  	v7 =	vld [tilespmem:s28+$0x0];
	_ =	sdelay $0x4  }
0x99: {  	(v2sf) =	vpush v7, $0x0;
	_ =	sdelay $0xe  }
0x9a: {  	s14 =	spop (v2sf)  }
0x9b: {  	s10 =	scvt.f32.s32 s14;
	_ =	sdelay $0x1  }
0x9c: {  	s11 =	scvt.s32.f32 s10;
	_ =	sdelay $0x1  }
0x9d: {  	p0 =	slt.f32 s14, s11  }
0x9e: {  	s11 =	simm.s32 $0x1  }
0x9f: {  	s11 =	simm.s32 @!p0 $0x0  }
0xa0: {  	s10 =	ssub.s32 s10, s11  }
0xa1: {  	s11 =	sshrl.u32 s10, $0x4  }
0xa2: {  	p0 =	sne.s32 s11, s0  }
.Ltmp5:
0xa3: {  	_ = 	snop;
	(pc) =	sbr.rel @p0 .LBB2_6-.Ltmp5, $1  }
0xa4: {  	_ =	sdelay $0x3  }
0xa5: {  	(v2sf) =	vpush v7, $0x1;
	_ =	sdelay $0xe  }
0xa6: {  	s15 =	spop (v2sf)  }
0xa7: {  	p0 =	sgt.u32 s8, $0x31;
	s13 =	simm.s32 $0x9;
	s11 =	scvt.f32.s32 s15  }
0xa8: {  	s13 =	simm.s32 @!p0 $0x0  }
0xa9: {  	s17 =	smul.u32 $0x12, s13;
	s16 =	scvt.s32.f32 s11  }
0xaa: {  	s12 =	ssub.s32 s10, s2  }
0xab: {  	s25 =	sadd.s32 s17, s12;
	p1 =	slt.f32 s15, s16  }
0xac: {  	s17 =	simm.s32 $0x1;
	s18 =	sadd.s32 $0x12, s25  }
0xad: {  	v6 =	vmov s18;
	s17 =	simm.s32 @!p1 $0x0  }
0xae: {  	v6 =	vshll.u32 v6, $0x8;
	s11 =	ssub.s32 s11, s17  }
0xaf: {  	v8 =	vadd.s32 v3, v6;
	v6 =	vadd.s32 s11, v5  }
0xb0: {  	v8 =	vadd.s32 v8, v6;
	_ =	sdelay $0x4  }
0xb1: {  	v8 =	vld.idx.msk [tilespmem:v8+s20+$0x0], $0xffff;
	_ =	sdelay $0x3  }
0xb2: {  	s19 =	sadd.s32 $0x24, s25  }
0xb3: {  	v9 =	vmov s19;
	v8 =	vsub.f32 $0.0e+00, v8  }
0xb4: {  	v9 =	vshll.u32 v9, $0x8  }
0xb5: {  	v9 =	vadd.s32 v3, v9;
	v8 =	vmul.f32 $1.442695020e+00, v8  }
0xb6: {  	v9 =	vadd.s32 v9, v6  }
0xb7: {  	(erf) = vpow2.f32 v8;
	_ =	sdelay $0x3  }
0xb8: {  	v37 =	vld.idx.msk [tilespmem:v9+s20+$0x0], $0xffff;
	_ =	sdelay $0x3  }
0xb9: {  	s21 =	sadd.s32 $0x36, s25  }
0xba: {  	v38 =	vmov s21;
	v8 =	vsub.f32 $0.0e+00, v37;
	v10 =	vpop (erf)  }
0xbb: {  	v9 =	vshll.u32 v38, $0x8;
	v10 =	vadd.f32 $1.000000000e+00, v10  }
0xbc: {  	v9 =	vadd.s32 v3, v9;
	v8 =	vmul.f32 $1.442695020e+00, v8  }
0xbd: {  	v9 =	vadd.s32 v9, v6;
	(erf) = vrcp.f32 v10  }
0xbe: {  	(erf) = vpow2.f32 v8;
	_ =	sdelay $0x3  }
0xbf: {  	v39 =	vld.idx.msk [tilespmem:v9+s20+$0x0], $0xffff;
	_ =	sdelay $0x3  }
0xc0: {  	v40 =	vpop (erf)  }
0xc1: {  	v8 =	vsub.f32 $0.0e+00, v39;
	v41 =	vpop (erf)  }
0xc2: {  	s22 =	sadd.s32 $0x48, s25;
	s23 =	sadd.s32 $0x5A, s25;
	v10 =	vadd.f32 $1.000000000e+00, v41  }
0xc3: {  	v11 =	vmov s22;
	v12 =	vmov s23;
	v8 =	vmul.f32 $1.442695020e+00, v8  }
0xc4: {  	v11 =	vshll.u32 v11, $0x8;
	v42 =	vshll.u32 v12, $0x8;
	s16 =	sadd.s32 $0x6C, s25;
	(erf) = vrcp.f32 v10  }
0xc5: {  	v11 =	vadd.s32 v3, v11;
	v43 =	vmov s16;
	(erf) = vpow2.f32 v8  }
0xc6: {  	v45 =	vshll.u32 v43, $0x8;
	v44 =	vadd.s32 v11, v6;
	v10 =	vadd.s32 v3, v42  }
0xc7: {  	v11 =	vadd.s32 v3, v45;
	v10 =	vadd.s32 v10, v6  }
0xc8: {  	v11 =	vadd.s32 v11, v6;
	_ =	sdelay $0x2  }
0xc9: {  	(v2sf) =	vpush v7, $0x2;
	v8 =	vld.idx.msk [tilespmem:v44+s20+$0x0], $0xffff  }
0xca: {  	(v2sf) =	vpush v7, $0x3;
	v10 =	vld.idx.msk [tilespmem:v10+s20+$0x0], $0xffff  }
0xcb: {  	v11 =	vld.idx.msk [tilespmem:v11+s20+$0x0], $0xffff;
	v46 =	vpop (erf)  }
0xcc: {  	(v2sf) =	vpush v7, $0x4;
	v13 =	vpop (erf)  }
0xcd: {  	v13 =	vadd.f32 $1.000000000e+00, v13  }
0xce: {  	(v2sf) =	vpush v7, $0x5;
	v7 =	vmul.f32 $1.442695020e+00, v8  }
0xcf: {  	v47 =	vmul.f32 $1.442695020e+00, v10;
	(erf) = vrcp.f32 v13  }
0xd0: {  	(erf) = vpow2.f32 v7;
	v7 =	vmul.f32 $1.442695020e+00, v11  }
0xd1: {  	(erf) = vpow2.f32 v47  }
0xd2: {  	(erf) = vpow2.f32 v7;
	_ =	sdelay $0x5  }
0xd3: {  	s16 =	spop (v2sf);
	v7 =	vpop (erf)  }
0xd4: {  	v49 =	vadd.s32 s10, v2;
	s17 =	spop (v2sf);
	v48 =	vpop (erf)  }
0xd5: {  	v51 =	vcvt.s32.f32 v49;
	s25 =	smul.f32 $5.000000000e-01, s17;
	v50 =	vpop (erf);
	v8 =	vmul.f32 $3.900000100e+00, v48  }
0xd6: {  	v14 =	vcvt.s32.f32 v6;
	s19 =	spop (v2sf);
	v11 =	vmul.f32 $1.600000020e+00, v50;
	v15 =	vpop (erf)  }
0xd7: {  	s22 =	smul.f32 $5.000000000e-01, s19;
	s21 =	sadd.f32 s25, s14;
	v9 =	vadd.f32 v51, v40;
	v52 =	vmul.f32 $1.559999940e+00, v15;
	v53 =	vmul.f32 $5.000000000e-01, v8  }
0xd8: {  	s23 =	spop (v2sf);
	s14 =	ssub.f32 s14, s25;
	v12 =	vadd.f32 v14, v46;
	v7 =	vmul.f32 $4.000000000e+00, v7;
	v54 =	vmul.f32 $5.000000000e-01, v11  }
0xd9: {  	s25 =	smul.f32 $5.000000000e-01, s23;
	s18 =	sadd.f32 s22, s15;
	v16 =	vadd.f32 v53, v9;
	v9 =	vsub.f32 v9, v53;
	v55 =	vmul.f32 $5.000000000e-01, v52  }
0xda: {  	s15 =	ssub.f32 s15, s22;
	v17 =	vadd.f32 v54, v12;
	v12 =	vsub.f32 v12, v54  }
0xdb: {  	s22 =	sadd.f32 s25, s16;
	v56 =	vmin.f32 v16, s21;
	v9 =	vmax.f32 v9, s14;
	v57 =	vadd.f32 v55, v7  }
0xdc: {  	v7 =	vsub.f32 v7, v55;
	s21 =	ssub.f32 s16, s25;
	v58 =	vmin.f32 v17, s18;
	v12 =	vmax.f32 v12, s15  }
0xdd: {  	v9 =	vsub.f32 v56, v9;
	v12 =	vsub.f32 v58, v12  }
0xde: {  	v8 =	vmul.f32 v11, v8;
	v59 =	vmin.f32 v57, s22;
	v7 =	vmax.f32 v7, s21;
	s22 =	smul.f32 s19, s17  }
0xdf: {  	v9 =	vmax.f32 v9, $0.0e+00;
	v7 =	vsub.f32 v59, v7;
	v60 =	vmax.f32 v12, $0.0e+00  }
0xe0: {  	v8 =	vmul.f32 v52, v8;
	s14 =	smul.f32 s22, s23;
	v9 =	vmul.f32 v60, v9  }
0xe1: {  	v7 =	vmax.f32 v7, $0.0e+00  }
0xe2: {  	v8 =	vadd.f32 s14, v8;
	v7 =	vmul.f32 v7, v9;
	_ =	sdelay $0x1  }
0xe3: {  	v8 =	vsub.f32 v8, v7;
	_ =	sdelay $0x1  }
0xe4: {  	v8 =	vadd.f32 $9.999999930e-09, v8;
	_ =	sdelay $0x1  }
0xe5: {  	(erf) = vrcp.f32 v8;
	_ =	sdelay $0x7  }
0xe6: {  	v61 =	vmov s13  }
0xe7: {  	v8 =	vmul.u32 $0x12, v61;
	v62 =	vpop (erf)  }
0xe8: {  	s13 =	simm.s32 $0x10000;
	v7 =	vmul.f32 v62, v7  }
0xe9: {  	s13 =	simm.s32 @!p0 $0x0;
	v8 =	vadd.s32 s12, v8  }
0xea: {  	s23 =	sor.u32 s24, s13;
	vm2 =	vgt.f32 v7, $1.000000010e-01;
	v7 =	vshll.u32 v8, $0x8  }
0xeb: {  	v63 =	vshll.u32 v49, $0x8;
	s25 =	sshll.u32 s10, $0x8;
	v6 =	vadd.s32 s23, v6;
	s12 =	sadd.s32 s23, s11;
	v7 =	vbroadcast v7, $0x0  }
0xec: {  	v6 =	vadd.s32 v63, v6;
	s10 =	sadd.s32 s25, s12;
	vm2 =	vmand vm2, vm1  }
0xed: {  	v6 =	vnsel vm2, s10, v6;
	v7 =	vadd.s32 v4, v7  }
0xee: {  	v7 =	vadd.s32 s11, v7;
	_ =	sdelay $0x3  }
0xef: {  	[hbm4b:s3+s1] =	stream.indirect_vreg.scatter [tilespmem:s5], [sflag:$0x2], $0x1, v6, vm0, $0xb8;
	[tilespmem:$0x16B00] =	vst v63  }
0xf0: {  	v6 =	vld.idx.msk [tilespmem:v7+s20+$0x0], $0xffff;
	_ =	sdelay $0x4  }
0xf1: {  	[tilespmem:$0x16A80] =	vst v6  }
0xf2: {  	[hbm4b:s26+s1] =	stream.linear.scatter [tilespmem:s6], [sflag:$0x2], $0x10, $0x38;
	[tilespmem:$0x16B00] =	vst v63  }
0xf3: {  	_ =	swait.ge [sflag:s31], $0x10  }
.Ltmp6:
0xf4: {  	[sflag:s31] =	ssyncset.done $0x0;
	(pc) =	sbr.rel .LBB2_6-.Ltmp6, $4  }
0xf5: {  	[sflag:s31] =	ssyncadd.s32 $0xFFFFFFF0  }
0xf6: {  	_ =	swait.ge [sflag:s31], $0x10  }
0xf7: {  	[sflag:s31] =	ssyncset.done $0x0  }
0xf8: {  	[sflag:s31] =	ssyncadd.s32 $0xFFFFFFF0  }
.LBB2_8:
0xf9: {  	_ =	sfence.sel $0x180000  }
0xfa: {  	[bflag:$0x0] =	sbarrier.arrive $0xFFFF  }
0xfb: {  	_ =	strace $0x90000047  }
0xfc: {  	[bflag:$0x2] =	sbarrier.arrive $0xFFFF  }
0xfd: {  	p0 =	sne.s32 s0, $0x0;
	s0 =	rddreg [dreg:$0x1]  }
0xfe: {  	s0 =	sadd.s32 @!p0 $0x100000, s0  }
0xff: {  	[sflag:s0] =	ssyncadd.tile.s32 @!p0 $0x1;
	_ =	shalt  }
.Lfunc_end2:
_tile_overlayer_lowered:
.L_overlay_start_2:
0x100: {  	(tag) =	ssettag $0x2  }
0x101: {  	s0 =	rddreg [dreg:$0x0];
	s2 =	stileid.u32  }
0x102: {  	s1 =	rddreg [dreg:$0x1];
	p0 =	sne.s32 s2, $0x0  }
0x103: {  	s3 =	rddreg [dreg:$0x2];
	[bflag:$0x3] =	sbarrier.arrive $0xFFFF;
	s2 =	simm.s32 @!p0 $0x1C03  }
0x104: {  	[timem:s3], [sflag:s2] =	dma.local @!p0 [hbm:s0], s1  }
0x105: {  	s0 =	simm.s32 @!p0 $0x3  }
0x106: {  	_ =	swait.ge @!p0 [sflag:s0], s1  }
0x107: {  	s1 =	ssub.s32 @!p0 $0x0, s1;
	[sflag:s0] =	ssyncset.done @!p0 $0x0  }
0x108: {  	[sflag:s0] =	ssyncadd.s32 @!p0 s1  }
0x109: {  	[bflag:$0x3] =	sbarrier.arrive $0xFFFF  }
0x10a: {  	_ =	shalt  }

</sc_bundles>
